<compile_context>
chip_gen: v7x
topology: tpu7x:2x2x1
jax: 0.10.2.dev20260603
libtpu: 0.0.44.dev20260713+nightly
codegen_flags: <defaults>
</compile_context>

<pallas_src>
import functools

import jax
import jax.numpy as jnp
from jax import lax
from jax.experimental import pallas as pl
from jax.experimental.pallas import tpu as pltpu
from jax.experimental.pallas import tpu_sc as plsc

VOCAB = 11322
EMBED = 300
DP = 384
HIDDEN = 512
G4 = 4 * HIDDEN
B, R, O, L = 4, 10, 100, 20
N = B * R * O
NP = 4096
NB = 256
NTOK = L * NP

_NC, _NS = 2, 16
_NW = _NC * _NS
_PER_W = NTOK // _NW
_CHUNK = 128


def _sc_gather(ids_flat, table_pad):
    mesh = plsc.VectorSubcoreMesh(core_axis_name="c", subcore_axis_name="s")

    @functools.partial(
        pl.kernel,
        mesh=mesh,
        out_type=jax.ShapeDtypeStruct((NTOK, DP), jnp.float32),
        scratch_types=[
            pltpu.VMEM((_PER_W,), jnp.int32),
            pltpu.VMEM((_CHUNK, DP), jnp.float32),
            pltpu.SemaphoreType.DMA,
        ],
    )
    def gather_k(ids_hbm, table_hbm, out_hbm, idx_v, rows_v, sem):
        wid = lax.axis_index("s") * _NC + lax.axis_index("c")
        base = wid * _PER_W
        pltpu.sync_copy(ids_hbm.at[pl.ds(base, _PER_W)], idx_v)

        def chunk(k, carry):
            off = k * _CHUNK
            pltpu.async_copy(
                table_hbm.at[idx_v.at[pl.ds(off, _CHUNK)]], rows_v, sem
            ).wait()
            pltpu.sync_copy(rows_v, out_hbm.at[pl.ds(base + off, _CHUNK)])
            return carry

        lax.fori_loop(0, _PER_W // _CHUNK, chunk, 0)

    return gather_k(ids_flat, table_pad)


def _lstm_body(tmax_ref, emb_ref, lens_ref, enc_ref, wih0, whh0, b0, wih1,
               whh1, b1, out_ref, h0, c0, h1, c1):
    zeros = jnp.zeros((NB, HIDDEN), jnp.float32)
    h0[...] = zeros
    c0[...] = zeros
    h1[...] = zeros
    c1[...] = zeros
    t_hi = tmax_ref[pl.program_id(0)]

    def step(t, carry):
        x = emb_ref[t].astype(jnp.bfloat16)
        m = lens_ref[...] > t

        g = (jnp.dot(x, wih0[...], preferred_element_type=jnp.float32)
             + jnp.dot(h0[...].astype(jnp.bfloat16), whh0[...],
                       preferred_element_type=jnp.float32)
             + b0[...])
        ig = jax.nn.sigmoid(g[:, 0:HIDDEN])
        fg = jax.nn.sigmoid(g[:, HIDDEN:2 * HIDDEN])
        gg = jnp.tanh(g[:, 2 * HIDDEN:3 * HIDDEN])
        og = jax.nn.sigmoid(g[:, 3 * HIDDEN:4 * HIDDEN])
        cn = fg * c0[...] + ig * gg
        hn = og * jnp.tanh(cn)
        h0[...] = jnp.where(m, hn, h0[...])
        c0[...] = jnp.where(m, cn, c0[...])

        g = (jnp.dot(h0[...].astype(jnp.bfloat16), wih1[...],
                     preferred_element_type=jnp.float32)
             + jnp.dot(h1[...].astype(jnp.bfloat16), whh1[...],
                       preferred_element_type=jnp.float32)
             + b1[...])
        ig = jax.nn.sigmoid(g[:, 0:HIDDEN])
        fg = jax.nn.sigmoid(g[:, HIDDEN:2 * HIDDEN])
        gg = jnp.tanh(g[:, 2 * HIDDEN:3 * HIDDEN])
        og = jax.nn.sigmoid(g[:, 3 * HIDDEN:4 * HIDDEN])
        cn = fg * c1[...] + ig * gg
        hn = og * jnp.tanh(cn)
        h1[...] = jnp.where(m, hn, h1[...])
        c1[...] = jnp.where(m, cn, c1[...])
        return carry

    lax.fori_loop(0, t_hi, step, 0)
    out_ref[...] = jnp.sum(h1[...] * enc_ref[...], axis=1, keepdims=True)


def _tc_lstm(tmax, emb, lens, enc, wih0, whh0, b0, wih1, whh1, b1):
    grid = (NP // NB,)
    grid_spec = pltpu.PrefetchScalarGridSpec(
        num_scalar_prefetch=1,
        grid=grid,
        in_specs=[
            pl.BlockSpec((L, NB, DP), lambda i, *_: (0, i, 0)),
            pl.BlockSpec((NB, 1), lambda i, *_: (i, 0)),
            pl.BlockSpec((NB, HIDDEN), lambda i, *_: (i, 0)),
            pl.BlockSpec((DP, G4), lambda i, *_: (0, 0)),
            pl.BlockSpec((HIDDEN, G4), lambda i, *_: (0, 0)),
            pl.BlockSpec((1, G4), lambda i, *_: (0, 0)),
            pl.BlockSpec((HIDDEN, G4), lambda i, *_: (0, 0)),
            pl.BlockSpec((HIDDEN, G4), lambda i, *_: (0, 0)),
            pl.BlockSpec((1, G4), lambda i, *_: (0, 0)),
        ],
        out_specs=pl.BlockSpec((NB, 1), lambda i, *_: (i, 0)),
        scratch_shapes=[pltpu.VMEM((NB, HIDDEN), jnp.float32)] * 4,
    )
    return pl.pallas_call(
        _lstm_body,
        grid_spec=grid_spec,
        out_shape=jax.ShapeDtypeStruct((NP, 1), jnp.float32),
        compiler_params=pltpu.CompilerParams(
            dimension_semantics=("arbitrary",),
        ),
    )(tmax, emb, lens, enc, wih0, whh0, b0, wih1, whh1, b1)


def kernel(encoder_output, opt, opt_len, embed_table,
           w_ih_l0, w_hh_l0, b_ih_l0, b_hh_l0,
           w_ih_l1, w_hh_l1, b_ih_l1, b_hh_l1):
    lens0 = opt_len.reshape(N).astype(jnp.int32)
    perm = jnp.argsort(-lens0)
    lens_s = lens0[perm]
    ids = opt.reshape(N, L).astype(jnp.int32)[perm].T
    ids = jnp.pad(ids, ((0, 0), (0, NP - N))).reshape(NTOK)
    lens_p = jnp.pad(lens_s, (0, NP - N))
    lens = lens_p.reshape(NP, 1)
    tmax = lens_p[0::NB]
    table = jnp.pad(embed_table, ((0, 0), (0, DP - EMBED)))
    table = table.at[0].set(0.0)
    enc = jnp.broadcast_to(
        encoder_output[:, :, None, :], (B, R, O, HIDDEN)).reshape(N, HIDDEN)
    enc = jnp.pad(enc[perm], ((0, NP - N), (0, 0)))
    bf16 = jnp.bfloat16
    wih0 = jnp.pad(w_ih_l0.T, ((0, DP - EMBED), (0, 0))).astype(bf16)
    whh0 = w_hh_l0.T.astype(bf16)
    wih1 = w_ih_l1.T.astype(bf16)
    whh1 = w_hh_l1.T.astype(bf16)
    b0 = (b_ih_l0 + b_hh_l0).reshape(1, G4)
    b1 = (b_ih_l1 + b_hh_l1).reshape(1, G4)

    emb = _sc_gather(ids, table).reshape(L, NP, DP)

    scores = _tc_lstm(tmax, emb, lens, enc, wih0, whh0, b0, wih1, whh1, b1)
    out = jnp.zeros((N,), jnp.float32).at[perm].set(scores[:N, 0])
    return out.reshape(B, R, O)

# --- scband reference (transcript-rebuilt; emitter-appended) ---
"""Pipeline reference for scband-discriminative-decoder-12360915878458 (READ-ONLY COPY).

The authoritative reference and input builder live on the scoring server;
editing this copy changes nothing except your own understanding.
"""

import jax, jax.numpy as jnp
import numpy as np

VOCAB = 11322
EMBED = 300
HIDDEN = 512
B, R, O, L = 4, 10, 100, 20


def setup_inputs(seed: int = 0) -> dict:
    key = jax.random.key(seed)
    ks = jax.random.split(key, 12)
    encoder_output = jax.random.normal(ks[0], (B, R, HIDDEN), dtype=jnp.float32)
    opt = jax.random.randint(ks[1], (B, R, O, L), 0, VOCAB)
    opt_len = jax.random.randint(ks[2], (B, R, O), 0, L + 1)
    embed_table = jax.random.normal(ks[3], (VOCAB, EMBED), dtype=jnp.float32) * 0.02
    s = 1.0 / np.sqrt(HIDDEN)
    def u(k, shape):
        return jax.random.uniform(k, shape, jnp.float32, -s, s)
    w_ih_l0 = u(ks[4], (4 * HIDDEN, EMBED))
    w_hh_l0 = u(ks[5], (4 * HIDDEN, HIDDEN))
    b_ih_l0 = u(ks[6], (4 * HIDDEN,))
    b_hh_l0 = u(ks[7], (4 * HIDDEN,))
    w_ih_l1 = u(ks[8], (4 * HIDDEN, HIDDEN))
    w_hh_l1 = u(ks[9], (4 * HIDDEN, HIDDEN))
    b_ih_l1 = u(ks[10], (4 * HIDDEN,))
    b_hh_l1 = u(ks[11], (4 * HIDDEN,))
    return {
        'encoder_output': encoder_output,
        'opt': opt,
        'opt_len': opt_len,
        'embed_table': embed_table,
        'w_ih_l0': w_ih_l0, 'w_hh_l0': w_hh_l0, 'b_ih_l0': b_ih_l0, 'b_hh_l0': b_hh_l0,
        'w_ih_l1': w_ih_l1, 'w_hh_l1': w_hh_l1, 'b_ih_l1': b_ih_l1, 'b_hh_l1': b_hh_l1,
    }


def _lstm_layer(x_seq, mask, w_ih, w_hh, b_ih, b_hh):
    # x_seq: [N, T, D_in], mask: [N, T] bool. Emulates pack_padded_sequence by
    # freezing (h, c) once a sequence's length is exceeded, so the final carry
    # equals the hidden state at the last valid timestep (as torch's h_n).
    N, T, _ = x_seq.shape
    H = w_hh.shape[1]

    def step(carry, inp):
        h, c = carry
        x_t, m_t = inp
        gates = x_t @ w_ih.T + b_ih + h @ w_hh.T + b_hh
        i, f, g, o = jnp.split(gates, 4, axis=-1)
        i = jax.nn.sigmoid(i)
        f = jax.nn.sigmoid(f)
        g = jnp.tanh(g)
        o = jax.nn.sigmoid(o)
        c_new = f * c + i * g
        h_new = o * jnp.tanh(c_new)
        m = m_t[:, None]
        h2 = jnp.where(m, h_new, h)
        c2 = jnp.where(m, c_new, c)
        return (h2, c2), h2

    h0 = jnp.zeros((N, H), dtype=x_seq.dtype)
    c0 = jnp.zeros((N, H), dtype=x_seq.dtype)
    xs = (jnp.swapaxes(x_seq, 0, 1), jnp.swapaxes(mask, 0, 1))
    (hT, cT), hs = jax.lax.scan(step, (h0, c0), xs)
    return jnp.swapaxes(hs, 0, 1), hT, cT


def reference(encoder_output, opt, opt_len, embed_table,
              w_ih_l0, w_hh_l0, b_ih_l0, b_hh_l0,
              w_ih_l1, w_hh_l1, b_ih_l1, b_hh_l1):
    b, r, o, l = opt.shape
    n = b * r * o
    flat = opt.reshape(n, l)
    lens = opt_len.reshape(n)
    # embedding lookup with padding_idx=0 (zero vector, no grad for pad)
    emb = jnp.take(embed_table, flat, axis=0)
    emb = emb * (flat != 0)[..., None].astype(emb.dtype)
    mask = jnp.arange(l)[None, :] < lens[:, None]
    out1, h1, _ = _lstm_layer(emb, mask, w_ih_l0, w_hh_l0, b_ih_l0, b_hh_l0)
    out2, h2, _ = _lstm_layer(out1, mask, w_ih_l1, w_hh_l1, b_ih_l1, b_hh_l1)
    # zero-length options: mask is all-False -> h stays at zeros, matching the
    # torch module's zero-fill of options_embed for filtered-out sequences.
    options_embed = h2
    hdim = encoder_output.shape[-1]
    enc = jnp.broadcast_to(encoder_output[:, :, None, :], (b, r, o, hdim)).reshape(n, hdim)
    scores = jnp.sum(options_embed * enc, axis=1).reshape(b, r, o)
    return scores

if __name__ == "__main__":
    import jax
    _d = setup_inputs()
    print(jax.jit(kernel)(*tuple(_d.values())))

</pallas_src>

<mosaic_0001>
#map = affine_map<(d0, d1) -> (0)>
#map1 = affine_map<(d0, d1) -> (0, 0)>
module attributes {stable_mosaic.version = 14 : i64} {
  func.func @gather_k(%arg0: i32, %arg1: i32, %arg2: memref<81920xi32, #tpu.memory_space<hbm>>, %arg3: memref<11322x384xf32, #tpu.memory_space<hbm>>, %arg4: memref<81920x384xf32, #tpu.memory_space<hbm>>, %arg5: memref<2560xi32, #tpu.memory_space<vmem>>, %arg6: memref<128x384xf32, #tpu.memory_space<vmem>>, %arg7: memref<!tpu.dma_semaphore, #tpu.memory_space<semaphore_mem>>) attributes {dimension_semantics = [#tpu.dimension_semantics<core_parallel>, #tpu.dimension_semantics<subcore_parallel>], iteration_bounds = array<i64: 2, 16>, scalar_prefetch = 0 : i64, scratch_operands = 3 : i64, tpu.core_type = #tpu.core_type<sc_vector_subcore>, window_params = [{transform_indices = #map}, {transform_indices = #map1}, {transform_indices = #map1}]} {
    %mul3A = arith.constant 2 : i32
    %mul3A_0 = arith.muli %arg1, %mul3A : i32
    %add3A = arith.addi %mul3A_0, %arg0 : i32
    %mul3A_1 = arith.constant 2560 : i32
    %mul3A_2 = arith.muli %add3A, %mul3A_1 : i32
    "tpu.region"() ({
      %run_scoped3A = tpu.sem_alloc : memref<!tpu.dma_semaphore, #tpu.memory_space<semaphore_mem>>
      %dma_start3A = tpu.memref_slice %arg2[%mul3A_2] : memref<81920xi32, #tpu.memory_space<hbm>> -> memref<2560xi32, #tpu.memory_space<hbm>>
      %dma_start3A_8 = tpu.memref_slice %arg2[%mul3A_2] : memref<81920xi32, #tpu.memory_space<hbm>> -> memref<2560xi32, #tpu.memory_space<hbm>>
      tpu.enqueue_dma source(%dma_start3A_8 : memref<2560xi32, #tpu.memory_space<hbm>>) target(%arg5 : memref<2560xi32, #tpu.memory_space<vmem>>) target_semaphore(%run_scoped3A : memref<!tpu.dma_semaphore, #tpu.memory_space<semaphore_mem>>)
      %dma_wait3A = tpu.memref_slice %arg2[%mul3A_2] : memref<81920xi32, #tpu.memory_space<hbm>> -> memref<2560xi32, #tpu.memory_space<hbm>>
      %dma_wait3A_9 = tpu.memref_slice %arg2[%mul3A_2] : memref<81920xi32, #tpu.memory_space<hbm>> -> memref<2560xi32, #tpu.memory_space<hbm>>
      tpu.wait_dma2 semaphore(%run_scoped3A : memref<!tpu.dma_semaphore, #tpu.memory_space<semaphore_mem>>) src(%dma_wait3A_9 : memref<2560xi32, #tpu.memory_space<hbm>>) dst(%arg5 : memref<2560xi32, #tpu.memory_space<vmem>>)
      tpu.yield
    }) : () -> ()
    %scan3A = arith.constant 0 : i32
    %scan3A_3 = arith.constant 0 : i32
    %scan3A_4 = arith.constant 20 : i32
    %scan3A_5 = arith.addi %scan3A_3, %scan3A_4 : i32
    %scan3A_6 = arith.constant 1 : i32
    scf.for %scan3A_8 = %scan3A_3 to %scan3A_5 step %scan3A_6  : i32 {
      %mul3A_9 = arith.constant 128 : i32
      %mul3A_10 = arith.muli %scan3A_8, %mul3A_9 : i32
      %dma_start3A = tpu.memref_slice %arg5[%mul3A_10] : memref<2560xi32, #tpu.memory_space<vmem>> -> memref<128xi32, #tpu.memory_space<vmem>>
      %dma_start3A_11 = arith.constant 0 : i32
      %dma_start3A_12 = arith.constant 0 : i32
      %dma_start3A_13 = tpu.memref_slice %arg3[%dma_start3A_11, %dma_start3A_12] : memref<11322x384xf32, #tpu.memory_space<hbm>> -> memref<11322x384xf32, #tpu.memory_space<hbm>>
      tpu.enqueue_indirect_dma source(%dma_start3A_13 : memref<11322x384xf32, #tpu.memory_space<hbm>>) target(%arg6 : memref<128x384xf32, #tpu.memory_space<vmem>>) offsets(%dma_start3A : memref<128xi32, #tpu.memory_space<vmem>>) semaphore(%arg7 : memref<!tpu.dma_semaphore, #tpu.memory_space<semaphore_mem>>)
      %dma_wait3A = tpu.memref_slice %arg5[%mul3A_10] : memref<2560xi32, #tpu.memory_space<vmem>> -> memref<128xi32, #tpu.memory_space<vmem>>
      %dma_wait3A_14 = arith.constant 0 : i32
      %dma_wait3A_15 = arith.constant 0 : i32
      %dma_wait3A_16 = tpu.memref_slice %arg3[%dma_wait3A_14, %dma_wait3A_15] : memref<11322x384xf32, #tpu.memory_space<hbm>> -> memref<11322x384xf32, #tpu.memory_space<hbm>>
      tpu.wait_indirect_dma semaphore(%arg7 : memref<!tpu.dma_semaphore, #tpu.memory_space<semaphore_mem>>) src(%dma_wait3A_16 : memref<11322x384xf32, #tpu.memory_space<hbm>>) dst(%arg6 : memref<128x384xf32, #tpu.memory_space<vmem>>)
      %add3A_17 = arith.addi %mul3A_2, %mul3A_10 : i32
      "tpu.region"() ({
        %run_scoped3A = tpu.sem_alloc : memref<!tpu.dma_semaphore, #tpu.memory_space<semaphore_mem>>
        %dma_start3A_18 = arith.constant 0 : i32
        %dma_start3A_19 = tpu.memref_slice %arg4[%add3A_17, %dma_start3A_18] : memref<81920x384xf32, #tpu.memory_space<hbm>> -> memref<128x384xf32, #tpu.memory_space<hbm>>
        %dma_start3A_20 = arith.constant 0 : i32
        %dma_start3A_21 = tpu.memref_slice %arg4[%add3A_17, %dma_start3A_20] : memref<81920x384xf32, #tpu.memory_space<hbm>> -> memref<128x384xf32, #tpu.memory_space<hbm>>
        tpu.enqueue_dma source(%arg6 : memref<128x384xf32, #tpu.memory_space<vmem>>) target(%dma_start3A_21 : memref<128x384xf32, #tpu.memory_space<hbm>>) target_semaphore(%run_scoped3A : memref<!tpu.dma_semaphore, #tpu.memory_space<semaphore_mem>>)
        %dma_wait3A_22 = arith.constant 0 : i32
        %dma_wait3A_23 = tpu.memref_slice %arg4[%add3A_17, %dma_wait3A_22] : memref<81920x384xf32, #tpu.memory_space<hbm>> -> memref<128x384xf32, #tpu.memory_space<hbm>>
        %dma_wait3A_24 = arith.constant 0 : i32
        %dma_wait3A_25 = tpu.memref_slice %arg4[%add3A_17, %dma_wait3A_24] : memref<81920x384xf32, #tpu.memory_space<hbm>> -> memref<128x384xf32, #tpu.memory_space<hbm>>
        tpu.wait_dma2 semaphore(%run_scoped3A : memref<!tpu.dma_semaphore, #tpu.memory_space<semaphore_mem>>) src(%arg6 : memref<128x384xf32, #tpu.memory_space<vmem>>) dst(%dma_wait3A_25 : memref<128x384xf32, #tpu.memory_space<hbm>>)
        tpu.yield
      }) : () -> ()
    }
    %scan3A_7 = arith.constant 20 : i32
    return
  }
}

module attributes {stable_mosaic.version = 14 : i64} {
  func.func @_lstm_body(%arg0: i32, %arg1: memref<16xi32, #tpu.memory_space<smem>>, %arg2: memref<20x256x384xf32, #tpu.memory_space<vmem>>, %arg3: memref<256x1xi32, #tpu.memory_space<vmem>>, %arg4: memref<256x512xf32, #tpu.memory_space<vmem>>, %arg5: memref<384x2048xbf16, #tpu.memory_space<vmem>>, %arg6: memref<512x2048xbf16, #tpu.memory_space<vmem>>, %arg7: memref<1x2048xf32, #tpu.memory_space<vmem>>, %arg8: memref<512x2048xbf16, #tpu.memory_space<vmem>>, %arg9: memref<512x2048xbf16, #tpu.memory_space<vmem>>, %arg10: memref<1x2048xf32, #tpu.memory_space<vmem>>, %arg11: memref<256x1xf32, #tpu.memory_space<vmem>>, %arg12: memref<256x512xf32, #tpu.memory_space<vmem>>, %arg13: memref<256x512xf32, #tpu.memory_space<vmem>>, %arg14: memref<256x512xf32, #tpu.memory_space<vmem>>, %arg15: memref<256x512xf32, #tpu.memory_space<vmem>>) attributes {dimension_semantics = [#tpu.dimension_semantics<arbitrary>], iteration_bounds = array<i64: 16>, scalar_prefetch = 1 : i64, scratch_operands = 4 : i64, tpu.core_type = #tpu.core_type<tc>, window_params = [{transform_indices = @transform_0, window_bounds = array<i64: 20, 256, 384>}, {transform_indices = @transform_1, window_bounds = array<i64: 256, 1>}, {transform_indices = @transform_2, window_bounds = array<i64: 256, 512>}, {pipeline_mode = #tpu.pipeline_mode<synchronous>, transform_indices = @transform_3, window_bounds = array<i64: 384, 2048>}, {pipeline_mode = #tpu.pipeline_mode<synchronous>, transform_indices = @transform_4, window_bounds = array<i64: 512, 2048>}, {pipeline_mode = #tpu.pipeline_mode<synchronous>, transform_indices = @transform_5, window_bounds = array<i64: 1, 2048>}, {pipeline_mode = #tpu.pipeline_mode<synchronous>, transform_indices = @transform_6, window_bounds = array<i64: 512, 2048>}, {pipeline_mode = #tpu.pipeline_mode<synchronous>, transform_indices = @transform_7, window_bounds = array<i64: 512, 2048>}, {pipeline_mode = #tpu.pipeline_mode<synchronous>, transform_indices = @transform_8, window_bounds = array<i64: 1, 2048>}, {transform_indices = @transform_9, window_bounds = array<i64: 256, 1>}]} {
    %broadcast_in_dim3A = arith.constant 0.000000e+00 : f32
    %broadcast_in_dim3A_0 = vector.broadcast %broadcast_in_dim3A : f32 to vector<256x512xf32>
    %swap3A = arith.constant 0 : index
    %swap3A_1 = arith.constant 0 : index
    %swap3A_2 = vector.load %arg12[%swap3A, %swap3A_1] : memref<256x512xf32, #tpu.memory_space<vmem>>, vector<256x512xf32>
    tpu.vector_store %arg12[%swap3A, %swap3A_1], %broadcast_in_dim3A_0 {strides = array<i32>} : memref<256x512xf32, #tpu.memory_space<vmem>>, vector<256x512xf32>,
    %swap3A_3 = arith.constant 0 : index
    %swap3A_4 = arith.constant 0 : index
    %swap3A_5 = vector.load %arg13[%swap3A_3, %swap3A_4] : memref<256x512xf32, #tpu.memory_space<vmem>>, vector<256x512xf32>
    tpu.vector_store %arg13[%swap3A_3, %swap3A_4], %broadcast_in_dim3A_0 {strides = array<i32>} : memref<256x512xf32, #tpu.memory_space<vmem>>, vector<256x512xf32>,
    %swap3A_6 = arith.constant 0 : index
    %swap3A_7 = arith.constant 0 : index
    %swap3A_8 = vector.load %arg14[%swap3A_6, %swap3A_7] : memref<256x512xf32, #tpu.memory_space<vmem>>, vector<256x512xf32>
    tpu.vector_store %arg14[%swap3A_6, %swap3A_7], %broadcast_in_dim3A_0 {strides = array<i32>} : memref<256x512xf32, #tpu.memory_space<vmem>>, vector<256x512xf32>,
    %swap3A_9 = arith.constant 0 : index
    %swap3A_10 = arith.constant 0 : index
    %swap3A_11 = vector.load %arg15[%swap3A_9, %swap3A_10] : memref<256x512xf32, #tpu.memory_space<vmem>>, vector<256x512xf32>
    tpu.vector_store %arg15[%swap3A_9, %swap3A_10], %broadcast_in_dim3A_0 {strides = array<i32>} : memref<256x512xf32, #tpu.memory_space<vmem>>, vector<256x512xf32>,
    %get3A = arith.index_cast %arg0 : i32 to index
    %get3A_12 = memref.load %arg1[%get3A] : memref<16xi32, #tpu.memory_space<smem>>
    %while3A = arith.constant 0 : i32
    %while3A_13 = arith.constant 0 : i32
    %while3A_14 = arith.subi %get3A_12, %while3A_13 : i32
    %while3A_15 = arith.addi %while3A_13, %while3A_14 : i32
    %while3A_16 = arith.constant 1 : i32
    %while3A_17 = arith.divsi %while3A_14, %while3A_16 : i32
    %while3A_18 = arith.muli %while3A_17, %while3A_16 : i32
    %while3A_19 = arith.addi %while3A_13, %while3A_18 : i32
    %while3A_20 = arith.constant 1 : i32
    scf.for %while3A_33 = %while3A_13 to %while3A_19 step %while3A_20  : i32 {
      %get3A_34 = arith.index_cast %while3A_33 : i32 to index
      %get3A_35 = arith.constant 0 : index
      %get3A_36 = arith.constant 0 : index
      %get3A_37 = vector.load %arg2[%get3A_34, %get3A_35, %get3A_36] : memref<20x256x384xf32, #tpu.memory_space<vmem>>, vector<1x256x384xf32>
      %get3A_38 = vector.shape_cast %get3A_37 : vector<1x256x384xf32> to vector<256x384xf32>
      %convert_element_type3A = arith.truncf %get3A_38 : vector<256x384xf32> to vector<256x384xbf16>
      %get3A_39 = arith.constant 0 : index
      %get3A_40 = arith.constant 0 : index
      %get3A_41 = vector.load %arg3[%get3A_39, %get3A_40] : memref<256x1xi32, #tpu.memory_space<vmem>>, vector<256x1xi32>
      %gt3A = vector.broadcast %while3A_33 : i32 to vector<256x1xi32>
      %gt3A_42 = arith.cmpi sgt, %get3A_41, %gt3A : vector<256x1xi32>
      %get3A_43 = arith.constant 0 : index
      %get3A_44 = arith.constant 0 : index
      %get3A_45 = vector.load %arg5[%get3A_43, %get3A_44] : memref<384x2048xbf16, #tpu.memory_space<vmem>>, vector<384x2048xbf16>
      %dot_general3A = arith.constant dense<0.000000e+00> : vector<256x2048xf32>
      %dot_general3A_46 = tpu.matmul %convert_element_type3A, %get3A_45, %dot_general3A {dimension_numbers = #tpu.dot_dimension_numbers<[1], [0], [0], [1], [0, 0, 1, 1], [], []>, transpose_lhs_hint = false} : vector<256x384xbf16>, vector<384x2048xbf16>, vector<256x2048xf32> -> vector<256x2048xf32>
      %get3A_47 = arith.constant 0 : index
      %get3A_48 = arith.constant 0 : index
      %get3A_49 = vector.load %arg12[%get3A_47, %get3A_48] : memref<256x512xf32, #tpu.memory_space<vmem>>, vector<256x512xf32>
      %convert_element_type3A_50 = arith.truncf %get3A_49 : vector<256x512xf32> to vector<256x512xbf16>
      %get3A_51 = arith.constant 0 : index
      %get3A_52 = arith.constant 0 : index
      %get3A_53 = vector.load %arg6[%get3A_51, %get3A_52] : memref<512x2048xbf16, #tpu.memory_space<vmem>>, vector<512x2048xbf16>
      %dot_general3A_54 = arith.constant dense<0.000000e+00> : vector<256x2048xf32>
      %dot_general3A_55 = tpu.matmul %convert_element_type3A_50, %get3A_53, %dot_general3A_54 {dimension_numbers = #tpu.dot_dimension_numbers<[1], [0], [0], [1], [0, 0, 1, 1], [], []>, transpose_lhs_hint = false} : vector<256x512xbf16>, vector<512x2048xbf16>, vector<256x2048xf32> -> vector<256x2048xf32>
      %add3A = arith.addf %dot_general3A_46, %dot_general3A_55 : vector<256x2048xf32>
      %get3A_56 = arith.constant 0 : index
      %get3A_57 = arith.constant 0 : index
      %get3A_58 = vector.load %arg7[%get3A_56, %get3A_57] : memref<1x2048xf32, #tpu.memory_space<vmem>>, vector<1x2048xf32>
      %add3A_59 = vector.broadcast %get3A_58 : vector<1x2048xf32> to vector<256x2048xf32>
      %add3A_60 = arith.addf %add3A, %add3A_59 : vector<256x2048xf32>
      %slice3A = vector.extract_strided_slice %add3A_60 {offsets = [0, 0], sizes = [256, 512], strides = [1, 1]} : vector<256x2048xf32> to vector<256x512xf32>
      %logistic3A = arith.negf %slice3A : vector<256x512xf32>
      %logistic3A_61 = math.exp %logistic3A : vector<256x512xf32>
      %logistic3A_62 = arith.constant 1.000000e+00 : f32
      %logistic3A_63 = vector.broadcast %logistic3A_62 : f32 to vector<256x512xf32>
      %logistic3A_64 = arith.addf %logistic3A_63, %logistic3A_61 : vector<256x512xf32>
      %logistic3A_65 = arith.divf %logistic3A_63, %logistic3A_64 : vector<256x512xf32>
      %slice3A_66 = vector.extract_strided_slice %add3A_60 {offsets = [0, 512], sizes = [256, 512], strides = [1, 1]} : vector<256x2048xf32> to vector<256x512xf32>
      %logistic3A_67 = arith.negf %slice3A_66 : vector<256x512xf32>
      %logistic3A_68 = math.exp %logistic3A_67 : vector<256x512xf32>
      %logistic3A_69 = arith.constant 1.000000e+00 : f32
      %logistic3A_70 = vector.broadcast %logistic3A_69 : f32 to vector<256x512xf32>
      %logistic3A_71 = arith.addf %logistic3A_70, %logistic3A_68 : vector<256x512xf32>
      %logistic3A_72 = arith.divf %logistic3A_70, %logistic3A_71 : vector<256x512xf32>
      %slice3A_73 = vector.extract_strided_slice %add3A_60 {offsets = [0, 1024], sizes = [256, 512], strides = [1, 1]} : vector<256x2048xf32> to vector<256x512xf32>
      %tanh3A = math.tanh %slice3A_73 : vector<256x512xf32>
      %slice3A_74 = vector.extract_strided_slice %add3A_60 {offsets = [0, 1536], sizes = [256, 512], strides = [1, 1]} : vector<256x2048xf32> to vector<256x512xf32>
      %logistic3A_75 = arith.negf %slice3A_74 : vector<256x512xf32>
      %logistic3A_76 = math.exp %logistic3A_75 : vector<256x512xf32>
      %logistic3A_77 = arith.constant 1.000000e+00 : f32
      %logistic3A_78 = vector.broadcast %logistic3A_77 : f32 to vector<256x512xf32>
      %logistic3A_79 = arith.addf %logistic3A_78, %logistic3A_76 : vector<256x512xf32>
      %logistic3A_80 = arith.divf %logistic3A_78, %logistic3A_79 : vector<256x512xf32>
      %get3A_81 = arith.constant 0 : index
      %get3A_82 = arith.constant 0 : index
      %get3A_83 = vector.load %arg13[%get3A_81, %get3A_82] : memref<256x512xf32, #tpu.memory_space<vmem>>, vector<256x512xf32>
      %mul3A_84 = arith.mulf %logistic3A_72, %get3A_83 : vector<256x512xf32>
      %mul3A_85 = arith.mulf %logistic3A_65, %tanh3A : vector<256x512xf32>
      %add3A_86 = arith.addf %mul3A_84, %mul3A_85 : vector<256x512xf32>
      %tanh3A_87 = math.tanh %add3A_86 : vector<256x512xf32>
      %mul3A_88 = arith.mulf %logistic3A_80, %tanh3A_87 : vector<256x512xf32>
      %get3A_89 = arith.constant 0 : index
      %get3A_90 = arith.constant 0 : index
      %get3A_91 = vector.load %arg12[%get3A_89, %get3A_90] : memref<256x512xf32, #tpu.memory_space<vmem>>, vector<256x512xf32>
      %broadcast_in_dim3A_92 = vector.shape_cast %gt3A_42 : vector<256x1xi1> to vector<256x1xi1>
      %broadcast_in_dim3A_93 = vector.broadcast %broadcast_in_dim3A_92 : vector<256x1xi1> to vector<256x512xi1>
      %select_n3A = arith.select %broadcast_in_dim3A_93, %mul3A_88, %get3A_91 : vector<256x512xi1>, vector<256x512xf32>
      %swap3A_94 = arith.constant 0 : index
      %swap3A_95 = arith.constant 0 : index
      %swap3A_96 = vector.load %arg12[%swap3A_94, %swap3A_95] : memref<256x512xf32, #tpu.memory_space<vmem>>, vector<256x512xf32>
      tpu.vector_store %arg12[%swap3A_94, %swap3A_95], %select_n3A {strides = array<i32>} : memref<256x512xf32, #tpu.memory_space<vmem>>, vector<256x512xf32>,
      %get3A_97 = arith.constant 0 : index
      %get3A_98 = arith.constant 0 : index
      %get3A_99 = vector.load %arg13[%get3A_97, %get3A_98] : memref<256x512xf32, #tpu.memory_space<vmem>>, vector<256x512xf32>
      %broadcast_in_dim3A_100 = vector.shape_cast %gt3A_42 : vector<256x1xi1> to vector<256x1xi1>
      %broadcast_in_dim3A_101 = vector.broadcast %broadcast_in_dim3A_100 : vector<256x1xi1> to vector<256x512xi1>
      %select_n3A_102 = arith.select %broadcast_in_dim3A_101, %add3A_86, %get3A_99 : vector<256x512xi1>, vector<256x512xf32>
      %swap3A_103 = arith.constant 0 : index
      %swap3A_104 = arith.constant 0 : index
      %swap3A_105 = vector.load %arg13[%swap3A_103, %swap3A_104] : memref<256x512xf32, #tpu.memory_space<vmem>>, vector<256x512xf32>
      tpu.vector_store %arg13[%swap3A_103, %swap3A_104], %select_n3A_102 {strides = array<i32>} : memref<256x512xf32, #tpu.memory_space<vmem>>, vector<256x512xf32>,
      %get3A_106 = arith.constant 0 : index
      %get3A_107 = arith.constant 0 : index
      %get3A_108 = vector.load %arg12[%get3A_106, %get3A_107] : memref<256x512xf32, #tpu.memory_space<vmem>>, vector<256x512xf32>
      %convert_element_type3A_109 = arith.truncf %get3A_108 : vector<256x512xf32> to vector<256x512xbf16>
      %get3A_110 = arith.constant 0 : index
      %get3A_111 = arith.constant 0 : index
      %get3A_112 = vector.load %arg8[%get3A_110, %get3A_111] : memref<512x2048xbf16, #tpu.memory_space<vmem>>, vector<512x2048xbf16>
      %dot_general3A_113 = arith.constant dense<0.000000e+00> : vector<256x2048xf32>
      %dot_general3A_114 = tpu.matmul %convert_element_type3A_109, %get3A_112, %dot_general3A_113 {dimension_numbers = #tpu.dot_dimension_numbers<[1], [0], [0], [1], [0, 0, 1, 1], [], []>, transpose_lhs_hint = false} : vector<256x512xbf16>, vector<512x2048xbf16>, vector<256x2048xf32> -> vector<256x2048xf32>
      %get3A_115 = arith.constant 0 : index
      %get3A_116 = arith.constant 0 : index
      %get3A_117 = vector.load %arg14[%get3A_115, %get3A_116] : memref<256x512xf32, #tpu.memory_space<vmem>>, vector<256x512xf32>
      %convert_element_type3A_118 = arith.truncf %get3A_117 : vector<256x512xf32> to vector<256x512xbf16>
      %get3A_119 = arith.constant 0 : index
      %get3A_120 = arith.constant 0 : index
      %get3A_121 = vector.load %arg9[%get3A_119, %get3A_120] : memref<512x2048xbf16, #tpu.memory_space<vmem>>, vector<512x2048xbf16>
      %dot_general3A_122 = arith.constant dense<0.000000e+00> : vector<256x2048xf32>
      %dot_general3A_123 = tpu.matmul %convert_element_type3A_118, %get3A_121, %dot_general3A_122 {dimension_numbers = #tpu.dot_dimension_numbers<[1], [0], [0], [1], [0, 0, 1, 1], [], []>, transpose_lhs_hint = false} : vector<256x512xbf16>, vector<512x2048xbf16>, vector<256x2048xf32> -> vector<256x2048xf32>
      %add3A_124 = arith.addf %dot_general3A_114, %dot_general3A_123 : vector<256x2048xf32>
      %get3A_125 = arith.constant 0 : index
      %get3A_126 = arith.constant 0 : index
      %get3A_127 = vector.load %arg10[%get3A_125, %get3A_126] : memref<1x2048xf32, #tpu.memory_space<vmem>>, vector<1x2048xf32>
      %add3A_128 = vector.broadcast %get3A_127 : vector<1x2048xf32> to vector<256x2048xf32>
      %add3A_129 = arith.addf %add3A_124, %add3A_128 : vector<256x2048xf32>
      %slice3A_130 = vector.extract_strided_slice %add3A_129 {offsets = [0, 0], sizes = [256, 512], strides = [1, 1]} : vector<256x2048xf32> to vector<256x512xf32>
      %logistic3A_131 = arith.negf %slice3A_130 : vector<256x512xf32>
      %logistic3A_132 = math.exp %logistic3A_131 : vector<256x512xf32>
      %logistic3A_133 = arith.constant 1.000000e+00 : f32
      %logistic3A_134 = vector.broadcast %logistic3A_133 : f32 to vector<256x512xf32>
      %logistic3A_135 = arith.addf %logistic3A_134, %logistic3A_132 : vector<256x512xf32>
      %logistic3A_136 = arith.divf %logistic3A_134, %logistic3A_135 : vector<256x512xf32>
      %slice3A_137 = vector.extract_strided_slice %add3A_129 {offsets = [0, 512], sizes = [256, 512], strides = [1, 1]} : vector<256x2048xf32> to vector<256x512xf32>
      %logistic3A_138 = arith.negf %slice3A_137 : vector<256x512xf32>
      %logistic3A_139 = math.exp %logistic3A_138 : vector<256x512xf32>
      %logistic3A_140 = arith.constant 1.000000e+00 : f32
      %logistic3A_141 = vector.broadcast %logistic3A_140 : f32 to vector<256x512xf32>
      %logistic3A_142 = arith.addf %logistic3A_141, %logistic3A_139 : vector<256x512xf32>
      %logistic3A_143 = arith.divf %logistic3A_141, %logistic3A_142 : vector<256x512xf32>
      %slice3A_144 = vector.extract_strided_slice %add3A_129 {offsets = [0, 1024], sizes = [256, 512], strides = [1, 1]} : vector<256x2048xf32> to vector<256x512xf32>
      %tanh3A_145 = math.tanh %slice3A_144 : vector<256x512xf32>
      %slice3A_146 = vector.extract_strided_slice %add3A_129 {offsets = [0, 1536], sizes = [256, 512], strides = [1, 1]} : vector<256x2048xf32> to vector<256x512xf32>
      %logistic3A_147 = arith.negf %slice3A_146 : vector<256x512xf32>
      %logistic3A_148 = math.exp %logistic3A_147 : vector<256x512xf32>
      %logistic3A_149 = arith.constant 1.000000e+00 : f32
      %logistic3A_150 = vector.broadcast %logistic3A_149 : f32 to vector<256x512xf32>
      %logistic3A_151 = arith.addf %logistic3A_150, %logistic3A_148 : vector<256x512xf32>
      %logistic3A_152 = arith.divf %logistic3A_150, %logistic3A_151 : vector<256x512xf32>
      %get3A_153 = arith.constant 0 : index
      %get3A_154 = arith.constant 0 : index
      %get3A_155 = vector.load %arg15[%get3A_153, %get3A_154] : memref<256x512xf32, #tpu.memory_space<vmem>>, vector<256x512xf32>
      %mul3A_156 = arith.mulf %logistic3A_143, %get3A_155 : vector<256x512xf32>
      %mul3A_157 = arith.mulf %logistic3A_136, %tanh3A_145 : vector<256x512xf32>
      %add3A_158 = arith.addf %mul3A_156, %mul3A_157 : vector<256x512xf32>
      %tanh3A_159 = math.tanh %add3A_158 : vector<256x512xf32>
      %mul3A_160 = arith.mulf %logistic3A_152, %tanh3A_159 : vector<256x512xf32>
      %get3A_161 = arith.constant 0 : index
      %get3A_162 = arith.constant 0 : index
      %get3A_163 = vector.load %arg14[%get3A_161, %get3A_162] : memref<256x512xf32, #tpu.memory_space<vmem>>, vector<256x512xf32>
      %broadcast_in_dim3A_164 = vector.shape_cast %gt3A_42 : vector<256x1xi1> to vector<256x1xi1>
      %broadcast_in_dim3A_165 = vector.broadcast %broadcast_in_dim3A_164 : vector<256x1xi1> to vector<256x512xi1>
      %select_n3A_166 = arith.select %broadcast_in_dim3A_165, %mul3A_160, %get3A_163 : vector<256x512xi1>, vector<256x512xf32>
      %swap3A_167 = arith.constant 0 : index
      %swap3A_168 = arith.constant 0 : index
      %swap3A_169 = vector.load %arg14[%swap3A_167, %swap3A_168] : memref<256x512xf32, #tpu.memory_space<vmem>>, vector<256x512xf32>
      tpu.vector_store %arg14[%swap3A_167, %swap3A_168], %select_n3A_166 {strides = array<i32>} : memref<256x512xf32, #tpu.memory_space<vmem>>, vector<256x512xf32>,
      %get3A_170 = arith.constant 0 : index
      %get3A_171 = arith.constant 0 : index
      %get3A_172 = vector.load %arg15[%get3A_170, %get3A_171] : memref<256x512xf32, #tpu.memory_space<vmem>>, vector<256x512xf32>
      %broadcast_in_dim3A_173 = vector.shape_cast %gt3A_42 : vector<256x1xi1> to vector<256x1xi1>
      %broadcast_in_dim3A_174 = vector.broadcast %broadcast_in_dim3A_173 : vector<256x1xi1> to vector<256x512xi1>
      %select_n3A_175 = arith.select %broadcast_in_dim3A_174, %add3A_158, %get3A_172 : vector<256x512xi1>, vector<256x512xf32>
      %swap3A_176 = arith.constant 0 : index
      %swap3A_177 = arith.constant 0 : index
      %swap3A_178 = vector.load %arg15[%swap3A_176, %swap3A_177] : memref<256x512xf32, #tpu.memory_space<vmem>>, vector<256x512xf32>
      tpu.vector_store %arg15[%swap3A_176, %swap3A_177], %select_n3A_175 {strides = array<i32>} : memref<256x512xf32, #tpu.memory_space<vmem>>, vector<256x512xf32>,
    }
    %while3A_21 = arith.constant 1 : i32
    scf.for %while3A_33 = %while3A_19 to %while3A_15 step %while3A_21  : i32 {
      %get3A_34 = arith.index_cast %while3A_33 : i32 to index
      %get3A_35 = arith.constant 0 : index
      %get3A_36 = arith.constant 0 : index
      %get3A_37 = vector.load %arg2[%get3A_34, %get3A_35, %get3A_36] : memref<20x256x384xf32, #tpu.memory_space<vmem>>, vector<1x256x384xf32>
      %get3A_38 = vector.shape_cast %get3A_37 : vector<1x256x384xf32> to vector<256x384xf32>
      %convert_element_type3A = arith.truncf %get3A_38 : vector<256x384xf32> to vector<256x384xbf16>
      %get3A_39 = arith.constant 0 : index
      %get3A_40 = arith.constant 0 : index
      %get3A_41 = vector.load %arg3[%get3A_39, %get3A_40] : memref<256x1xi32, #tpu.memory_space<vmem>>, vector<256x1xi32>
      %gt3A = vector.broadcast %while3A_33 : i32 to vector<256x1xi32>
      %gt3A_42 = arith.cmpi sgt, %get3A_41, %gt3A : vector<256x1xi32>
      %get3A_43 = arith.constant 0 : index
      %get3A_44 = arith.constant 0 : index
      %get3A_45 = vector.load %arg5[%get3A_43, %get3A_44] : memref<384x2048xbf16, #tpu.memory_space<vmem>>, vector<384x2048xbf16>
      %dot_general3A = arith.constant dense<0.000000e+00> : vector<256x2048xf32>
      %dot_general3A_46 = tpu.matmul %convert_element_type3A, %get3A_45, %dot_general3A {dimension_numbers = #tpu.dot_dimension_numbers<[1], [0], [0], [1], [0, 0, 1, 1], [], []>, transpose_lhs_hint = false} : vector<256x384xbf16>, vector<384x2048xbf16>, vector<256x2048xf32> -> vector<256x2048xf32>
      %get3A_47 = arith.constant 0 : index
      %get3A_48 = arith.constant 0 : index
      %get3A_49 = vector.load %arg12[%get3A_47, %get3A_48] : memref<256x512xf32, #tpu.memory_space<vmem>>, vector<256x512xf32>
      %convert_element_type3A_50 = arith.truncf %get3A_49 : vector<256x512xf32> to vector<256x512xbf16>
      %get3A_51 = arith.constant 0 : index
      %get3A_52 = arith.constant 0 : index
      %get3A_53 = vector.load %arg6[%get3A_51, %get3A_52] : memref<512x2048xbf16, #tpu.memory_space<vmem>>, vector<512x2048xbf16>
      %dot_general3A_54 = arith.constant dense<0.000000e+00> : vector<256x2048xf32>
      %dot_general3A_55 = tpu.matmul %convert_element_type3A_50, %get3A_53, %dot_general3A_54 {dimension_numbers = #tpu.dot_dimension_numbers<[1], [0], [0], [1], [0, 0, 1, 1], [], []>, transpose_lhs_hint = false} : vector<256x512xbf16>, vector<512x2048xbf16>, vector<256x2048xf32> -> vector<256x2048xf32>
      %add3A = arith.addf %dot_general3A_46, %dot_general3A_55 : vector<256x2048xf32>
      %get3A_56 = arith.constant 0 : index
      %get3A_57 = arith.constant 0 : index
      %get3A_58 = vector.load %arg7[%get3A_56, %get3A_57] : memref<1x2048xf32, #tpu.memory_space<vmem>>, vector<1x2048xf32>
      %add3A_59 = vector.broadcast %get3A_58 : vector<1x2048xf32> to vector<256x2048xf32>
      %add3A_60 = arith.addf %add3A, %add3A_59 : vector<256x2048xf32>
      %slice3A = vector.extract_strided_slice %add3A_60 {offsets = [0, 0], sizes = [256, 512], strides = [1, 1]} : vector<256x2048xf32> to vector<256x512xf32>
      %logistic3A = arith.negf %slice3A : vector<256x512xf32>
      %logistic3A_61 = math.exp %logistic3A : vector<256x512xf32>
      %logistic3A_62 = arith.constant 1.000000e+00 : f32
      %logistic3A_63 = vector.broadcast %logistic3A_62 : f32 to vector<256x512xf32>
      %logistic3A_64 = arith.addf %logistic3A_63, %logistic3A_61 : vector<256x512xf32>
      %logistic3A_65 = arith.divf %logistic3A_63, %logistic3A_64 : vector<256x512xf32>
      %slice3A_66 = vector.extract_strided_slice %add3A_60 {offsets = [0, 512], sizes = [256, 512], strides = [1, 1]} : vector<256x2048xf32> to vector<256x512xf32>
      %logistic3A_67 = arith.negf %slice3A_66 : vector<256x512xf32>
      %logistic3A_68 = math.exp %logistic3A_67 : vector<256x512xf32>
      %logistic3A_69 = arith.constant 1.000000e+00 : f32
      %logistic3A_70 = vector.broadcast %logistic3A_69 : f32 to vector<256x512xf32>
      %logistic3A_71 = arith.addf %logistic3A_70, %logistic3A_68 : vector<256x512xf32>
      %logistic3A_72 = arith.divf %logistic3A_70, %logistic3A_71 : vector<256x512xf32>
      %slice3A_73 = vector.extract_strided_slice %add3A_60 {offsets = [0, 1024], sizes = [256, 512], strides = [1, 1]} : vector<256x2048xf32> to vector<256x512xf32>
      %tanh3A = math.tanh %slice3A_73 : vector<256x512xf32>
      %slice3A_74 = vector.extract_strided_slice %add3A_60 {offsets = [0, 1536], sizes = [256, 512], strides = [1, 1]} : vector<256x2048xf32> to vector<256x512xf32>
      %logistic3A_75 = arith.negf %slice3A_74 : vector<256x512xf32>
      %logistic3A_76 = math.exp %logistic3A_75 : vector<256x512xf32>
      %logistic3A_77 = arith.constant 1.000000e+00 : f32
      %logistic3A_78 = vector.broadcast %logistic3A_77 : f32 to vector<256x512xf32>
      %logistic3A_79 = arith.addf %logistic3A_78, %logistic3A_76 : vector<256x512xf32>
      %logistic3A_80 = arith.divf %logistic3A_78, %logistic3A_79 : vector<256x512xf32>
      %get3A_81 = arith.constant 0 : index
      %get3A_82 = arith.constant 0 : index
      %get3A_83 = vector.load %arg13[%get3A_81, %get3A_82] : memref<256x512xf32, #tpu.memory_space<vmem>>, vector<256x512xf32>
      %mul3A_84 = arith.mulf %logistic3A_72, %get3A_83 : vector<256x512xf32>
      %mul3A_85 = arith.mulf %logistic3A_65, %tanh3A : vector<256x512xf32>
      %add3A_86 = arith.addf %mul3A_84, %mul3A_85 : vector<256x512xf32>
      %tanh3A_87 = math.tanh %add3A_86 : vector<256x512xf32>
      %mul3A_88 = arith.mulf %logistic3A_80, %tanh3A_87 : vector<256x512xf32>
      %get3A_89 = arith.constant 0 : index
      %get3A_90 = arith.constant 0 : index
      %get3A_91 = vector.load %arg12[%get3A_89, %get3A_90] : memref<256x512xf32, #tpu.memory_space<vmem>>, vector<256x512xf32>
      %broadcast_in_dim3A_92 = vector.shape_cast %gt3A_42 : vector<256x1xi1> to vector<256x1xi1>
      %broadcast_in_dim3A_93 = vector.broadcast %broadcast_in_dim3A_92 : vector<256x1xi1> to vector<256x512xi1>
      %select_n3A = arith.select %broadcast_in_dim3A_93, %mul3A_88, %get3A_91 : vector<256x512xi1>, vector<256x512xf32>
      %swap3A_94 = arith.constant 0 : index
      %swap3A_95 = arith.constant 0 : index
      %swap3A_96 = vector.load %arg12[%swap3A_94, %swap3A_95] : memref<256x512xf32, #tpu.memory_space<vmem>>, vector<256x512xf32>
      tpu.vector_store %arg12[%swap3A_94, %swap3A_95], %select_n3A {strides = array<i32>} : memref<256x512xf32, #tpu.memory_space<vmem>>, vector<256x512xf32>,
      %get3A_97 = arith.constant 0 : index
      %get3A_98 = arith.constant 0 : index
      %get3A_99 = vector.load %arg13[%get3A_97, %get3A_98] : memref<256x512xf32, #tpu.memory_space<vmem>>, vector<256x512xf32>
      %broadcast_in_dim3A_100 = vector.shape_cast %gt3A_42 : vector<256x1xi1> to vector<256x1xi1>
      %broadcast_in_dim3A_101 = vector.broadcast %broadcast_in_dim3A_100 : vector<256x1xi1> to vector<256x512xi1>
      %select_n3A_102 = arith.select %broadcast_in_dim3A_101, %add3A_86, %get3A_99 : vector<256x512xi1>, vector<256x512xf32>
      %swap3A_103 = arith.constant 0 : index
      %swap3A_104 = arith.constant 0 : index
      %swap3A_105 = vector.load %arg13[%swap3A_103, %swap3A_104] : memref<256x512xf32, #tpu.memory_space<vmem>>, vector<256x512xf32>
      tpu.vector_store %arg13[%swap3A_103, %swap3A_104], %select_n3A_102 {strides = array<i32>} : memref<256x512xf32, #tpu.memory_space<vmem>>, vector<256x512xf32>,
      %get3A_106 = arith.constant 0 : index
      %get3A_107 = arith.constant 0 : index
      %get3A_108 = vector.load %arg12[%get3A_106, %get3A_107] : memref<256x512xf32, #tpu.memory_space<vmem>>, vector<256x512xf32>
      %convert_element_type3A_109 = arith.truncf %get3A_108 : vector<256x512xf32> to vector<256x512xbf16>
      %get3A_110 = arith.constant 0 : index
      %get3A_111 = arith.constant 0 : index
      %get3A_112 = vector.load %arg8[%get3A_110, %get3A_111] : memref<512x2048xbf16, #tpu.memory_space<vmem>>, vector<512x2048xbf16>
      %dot_general3A_113 = arith.constant dense<0.000000e+00> : vector<256x2048xf32>
      %dot_general3A_114 = tpu.matmul %convert_element_type3A_109, %get3A_112, %dot_general3A_113 {dimension_numbers = #tpu.dot_dimension_numbers<[1], [0], [0], [1], [0, 0, 1, 1], [], []>, transpose_lhs_hint = false} : vector<256x512xbf16>, vector<512x2048xbf16>, vector<256x2048xf32> -> vector<256x2048xf32>
      %get3A_115 = arith.constant 0 : index
      %get3A_116 = arith.constant 0 : index
      %get3A_117 = vector.load %arg14[%get3A_115, %get3A_116] : memref<256x512xf32, #tpu.memory_space<vmem>>, vector<256x512xf32>
      %convert_element_type3A_118 = arith.truncf %get3A_117 : vector<256x512xf32> to vector<256x512xbf16>
      %get3A_119 = arith.constant 0 : index
      %get3A_120 = arith.constant 0 : index
      %get3A_121 = vector.load %arg9[%get3A_119, %get3A_120] : memref<512x2048xbf16, #tpu.memory_space<vmem>>, vector<512x2048xbf16>
      %dot_general3A_122 = arith.constant dense<0.000000e+00> : vector<256x2048xf32>
      %dot_general3A_123 = tpu.matmul %convert_element_type3A_118, %get3A_121, %dot_general3A_122 {dimension_numbers = #tpu.dot_dimension_numbers<[1], [0], [0], [1], [0, 0, 1, 1], [], []>, transpose_lhs_hint = false} : vector<256x512xbf16>, vector<512x2048xbf16>, vector<256x2048xf32> -> vector<256x2048xf32>
      %add3A_124 = arith.addf %dot_general3A_114, %dot_general3A_123 : vector<256x2048xf32>
      %get3A_125 = arith.constant 0 : index
      %get3A_126 = arith.constant 0 : index
      %get3A_127 = vector.load %arg10[%get3A_125, %get3A_126] : memref<1x2048xf32, #tpu.memory_space<vmem>>, vector<1x2048xf32>
      %add3A_128 = vector.broadcast %get3A_127 : vector<1x2048xf32> to vector<256x2048xf32>
      %add3A_129 = arith.addf %add3A_124, %add3A_128 : vector<256x2048xf32>
      %slice3A_130 = vector.extract_strided_slice %add3A_129 {offsets = [0, 0], sizes = [256, 512], strides = [1, 1]} : vector<256x2048xf32> to vector<256x512xf32>
      %logistic3A_131 = arith.negf %slice3A_130 : vector<256x512xf32>
      %logistic3A_132 = math.exp %logistic3A_131 : vector<256x512xf32>
      %logistic3A_133 = arith.constant 1.000000e+00 : f32
      %logistic3A_134 = vector.broadcast %logistic3A_133 : f32 to vector<256x512xf32>
      %logistic3A_135 = arith.addf %logistic3A_134, %logistic3A_132 : vector<256x512xf32>
      %logistic3A_136 = arith.divf %logistic3A_134, %logistic3A_135 : vector<256x512xf32>
      %slice3A_137 = vector.extract_strided_slice %add3A_129 {offsets = [0, 512], sizes = [256, 512], strides = [1, 1]} : vector<256x2048xf32> to vector<256x512xf32>
      %logistic3A_138 = arith.negf %slice3A_137 : vector<256x512xf32>
      %logistic3A_139 = math.exp %logistic3A_138 : vector<256x512xf32>
      %logistic3A_140 = arith.constant 1.000000e+00 : f32
      %logistic3A_141 = vector.broadcast %logistic3A_140 : f32 to vector<256x512xf32>
      %logistic3A_142 = arith.addf %logistic3A_141, %logistic3A_139 : vector<256x512xf32>
      %logistic3A_143 = arith.divf %logistic3A_141, %logistic3A_142 : vector<256x512xf32>
      %slice3A_144 = vector.extract_strided_slice %add3A_129 {offsets = [0, 1024], sizes = [256, 512], strides = [1, 1]} : vector<256x2048xf32> to vector<256x512xf32>
      %tanh3A_145 = math.tanh %slice3A_144 : vector<256x512xf32>
      %slice3A_146 = vector.extract_strided_slice %add3A_129 {offsets = [0, 1536], sizes = [256, 512], strides = [1, 1]} : vector<256x2048xf32> to vector<256x512xf32>
      %logistic3A_147 = arith.negf %slice3A_146 : vector<256x512xf32>
      %logistic3A_148 = math.exp %logistic3A_147 : vector<256x512xf32>
      %logistic3A_149 = arith.constant 1.000000e+00 : f32
      %logistic3A_150 = vector.broadcast %logistic3A_149 : f32 to vector<256x512xf32>
      %logistic3A_151 = arith.addf %logistic3A_150, %logistic3A_148 : vector<256x512xf32>
      %logistic3A_152 = arith.divf %logistic3A_150, %logistic3A_151 : vector<256x512xf32>
      %get3A_153 = arith.constant 0 : index
      %get3A_154 = arith.constant 0 : index
      %get3A_155 = vector.load %arg15[%get3A_153, %get3A_154] : memref<256x512xf32, #tpu.memory_space<vmem>>, vector<256x512xf32>
      %mul3A_156 = arith.mulf %logistic3A_143, %get3A_155 : vector<256x512xf32>
      %mul3A_157 = arith.mulf %logistic3A_136, %tanh3A_145 : vector<256x512xf32>
      %add3A_158 = arith.addf %mul3A_156, %mul3A_157 : vector<256x512xf32>
      %tanh3A_159 = math.tanh %add3A_158 : vector<256x512xf32>
      %mul3A_160 = arith.mulf %logistic3A_152, %tanh3A_159 : vector<256x512xf32>
      %get3A_161 = arith.constant 0 : index
      %get3A_162 = arith.constant 0 : index
      %get3A_163 = vector.load %arg14[%get3A_161, %get3A_162] : memref<256x512xf32, #tpu.memory_space<vmem>>, vector<256x512xf32>
      %broadcast_in_dim3A_164 = vector.shape_cast %gt3A_42 : vector<256x1xi1> to vector<256x1xi1>
      %broadcast_in_dim3A_165 = vector.broadcast %broadcast_in_dim3A_164 : vector<256x1xi1> to vector<256x512xi1>
      %select_n3A_166 = arith.select %broadcast_in_dim3A_165, %mul3A_160, %get3A_163 : vector<256x512xi1>, vector<256x512xf32>
      %swap3A_167 = arith.constant 0 : index
      %swap3A_168 = arith.constant 0 : index
      %swap3A_169 = vector.load %arg14[%swap3A_167, %swap3A_168] : memref<256x512xf32, #tpu.memory_space<vmem>>, vector<256x512xf32>
      tpu.vector_store %arg14[%swap3A_167, %swap3A_168], %select_n3A_166 {strides = array<i32>} : memref<256x512xf32, #tpu.memory_space<vmem>>, vector<256x512xf32>,
      %get3A_170 = arith.constant 0 : index
      %get3A_171 = arith.constant 0 : index
      %get3A_172 = vector.load %arg15[%get3A_170, %get3A_171] : memref<256x512xf32, #tpu.memory_space<vmem>>, vector<256x512xf32>
      %broadcast_in_dim3A_173 = vector.shape_cast %gt3A_42 : vector<256x1xi1> to vector<256x1xi1>
      %broadcast_in_dim3A_174 = vector.broadcast %broadcast_in_dim3A_173 : vector<256x1xi1> to vector<256x512xi1>
      %select_n3A_175 = arith.select %broadcast_in_dim3A_174, %add3A_158, %get3A_172 : vector<256x512xi1>, vector<256x512xf32>
      %swap3A_176 = arith.constant 0 : index
      %swap3A_177 = arith.constant 0 : index
      %swap3A_178 = vector.load %arg15[%swap3A_176, %swap3A_177] : memref<256x512xf32, #tpu.memory_space<vmem>>, vector<256x512xf32>
      tpu.vector_store %arg15[%swap3A_176, %swap3A_177], %select_n3A_175 {strides = array<i32>} : memref<256x512xf32, #tpu.memory_space<vmem>>, vector<256x512xf32>,
    }
    %get3A_22 = arith.constant 0 : index
    %get3A_23 = arith.constant 0 : index
    %get3A_24 = vector.load %arg14[%get3A_22, %get3A_23] : memref<256x512xf32, #tpu.memory_space<vmem>>, vector<256x512xf32>
    %get3A_25 = arith.constant 0 : index
    %get3A_26 = arith.constant 0 : index
    %get3A_27 = vector.load %arg4[%get3A_25, %get3A_26] : memref<256x512xf32, #tpu.memory_space<vmem>>, vector<256x512xf32>
    %mul3A = arith.mulf %get3A_24, %get3A_27 : vector<256x512xf32>
    %reduce_sum3A = arith.constant dense<0.000000e+00> : vector<256xf32>
    %reduce_sum3A_28 = vector.multi_reduction <add>, %mul3A, %reduce_sum3A [1] : vector<256x512xf32> to vector<256xf32>
    %broadcast_in_dim3A_29 = vector.shape_cast %reduce_sum3A_28 : vector<256xf32> to vector<256x1xf32>
    %swap3A_30 = arith.constant 0 : index
    %swap3A_31 = arith.constant 0 : index
    %swap3A_32 = vector.load %arg11[%swap3A_30, %swap3A_31] : memref<256x1xf32, #tpu.memory_space<vmem>>, vector<256x1xf32>
    tpu.vector_store %arg11[%swap3A_30, %swap3A_31], %broadcast_in_dim3A_29 {strides = array<i32>} : memref<256x1xf32, #tpu.memory_space<vmem>>, vector<256x1xf32>,
    return
  }
  func.func @transform_0(%arg0: i32, %arg1: memref<16xi32, #tpu.memory_space<smem>>) -> (i32, i32, i32) {
    %c0_i32 = arith.constant 0 : i32
    %c0_i32_0 = arith.constant 0 : i32
    %c0_i32_1 = arith.constant 0 : i32
    return %c0_i32, %arg0, %c0_i32_0 : i32, i32, i32
  }
  func.func @transform_1(%arg0: i32, %arg1: memref<16xi32, #tpu.memory_space<smem>>) -> (i32, i32) {
    %c0_i32 = arith.constant 0 : i32
    %c0_i32_0 = arith.constant 0 : i32
    return %arg0, %c0_i32 : i32, i32
  }
  func.func @transform_2(%arg0: i32, %arg1: memref<16xi32, #tpu.memory_space<smem>>) -> (i32, i32) {
    %c0_i32 = arith.constant 0 : i32
    %c0_i32_0 = arith.constant 0 : i32
    return %arg0, %c0_i32 : i32, i32
  }
  func.func @transform_3(%arg0: i32, %arg1: memref<16xi32, #tpu.memory_space<smem>>) -> (i32, i32) {
    %c0_i32 = arith.constant 0 : i32
    %c0_i32_0 = arith.constant 0 : i32
    %c0_i32_1 = arith.constant 0 : i32
    return %c0_i32, %c0_i32_0 : i32, i32
  }
  func.func @transform_4(%arg0: i32, %arg1: memref<16xi32, #tpu.memory_space<smem>>) -> (i32, i32) {
    %c0_i32 = arith.constant 0 : i32
    %c0_i32_0 = arith.constant 0 : i32
    %c0_i32_1 = arith.constant 0 : i32
    return %c0_i32, %c0_i32_0 : i32, i32
  }
  func.func @transform_5(%arg0: i32, %arg1: memref<16xi32, #tpu.memory_space<smem>>) -> (i32, i32) {
    %c0_i32 = arith.constant 0 : i32
    %c0_i32_0 = arith.constant 0 : i32
    %c0_i32_1 = arith.constant 0 : i32
    return %c0_i32, %c0_i32_0 : i32, i32
  }
  func.func @transform_6(%arg0: i32, %arg1: memref<16xi32, #tpu.memory_space<smem>>) -> (i32, i32) {
    %c0_i32 = arith.constant 0 : i32
    %c0_i32_0 = arith.constant 0 : i32
    %c0_i32_1 = arith.constant 0 : i32
    return %c0_i32, %c0_i32_0 : i32, i32
  }
  func.func @transform_7(%arg0: i32, %arg1: memref<16xi32, #tpu.memory_space<smem>>) -> (i32, i32) {
    %c0_i32 = arith.constant 0 : i32
    %c0_i32_0 = arith.constant 0 : i32
    %c0_i32_1 = arith.constant 0 : i32
    return %c0_i32, %c0_i32_0 : i32, i32
  }
  func.func @transform_8(%arg0: i32, %arg1: memref<16xi32, #tpu.memory_space<smem>>) -> (i32, i32) {
    %c0_i32 = arith.constant 0 : i32
    %c0_i32_0 = arith.constant 0 : i32
    %c0_i32_1 = arith.constant 0 : i32
    return %c0_i32, %c0_i32_0 : i32, i32
  }
  func.func @transform_9(%arg0: i32, %arg1: memref<16xi32, #tpu.memory_space<smem>>) -> (i32, i32) {
    %c0_i32 = arith.constant 0 : i32
    %c0_i32_0 = arith.constant 0 : i32
    return %arg0, %c0_i32 : i32, i32
  }
}

</mosaic_0001>

<sc_bundles>
// kernel: gather_offload_async_start.1
scs
__scs_entry_jumppad:
0x0: {  	(pc) =	sbr.rel $0x88, $3  }
0x1: {  	(tag) =	ssettag $0x0;
	lr =	simm.s32 $0x1  }
0x2: {  	[smem:$0x3F95] =	sst lr;
	_ =	strace $0xD0000000  }
0x3: {  	_ = 	snop  }
0x4: {  	_ = 	snop  }
0x5: {  	_ = 	snop  }
0x6: {  	_ = 	snop  }
0x7: {  	_ = 	snop  }
__scs_overlays_trampoline_lowered:
0x8: {  	[smem:$0x3FA4] =	sst s0  }
0x9: {  	[smem:$0x3FA5] =	sst s1  }
0xa: {  	[smem:$0x3FA6] =	sst s2  }
0xb: {  	[smem:$0x3FA7] =	sst s3  }
0xc: {  	[smem:$0x3FA8] =	sst s4  }
0xd: {  	[smem:$0x3FA9] =	sst s5  }
0xe: {  	[smem:$0x3FAA] =	sst s6  }
0xf: {  	[smem:$0x3FAB] =	sst s7  }
0x10: {  	[smem:$0x3FAC] =	sst s8  }
0x11: {  	[smem:$0x3FAD] =	sst s9;
	s0 =	simm.s32 @!p0 $0x0  }
0x12: {  	s1 =	sld [smem:$0x3F93];
	s0 =	simm.s32 @p0 $0x1  }
0x13: {  	[smem:$0x3FAE] =	sst s0;
	s0 =	simm.s32 @!p1 $0x0  }
0x14: {  	s2 =	sld [smem:$0x3F92];
	s0 =	simm.s32 @p1 $0x1  }
0x15: {  	[smem:$0x3FAF] =	sst s0;
	s0 =	simm.s32 @!p2 $0x0  }
0x16: {  	s3 =	sld [smem:$0x3FDB];
	s0 =	simm.s32 @p2 $0x1  }
0x17: {  	s4 =	simm.s32 $0x1BF5;
	[smem:$0x3FB1] =	sst s0  }
0x18: {  	s0 =	sld [smem:$0x3F94];
	_ =	swait.ge [sflag:s4], $0x0  }
0x19: {  	s7 =	sld [smem:$0x3F95]  }
0x1a: {  	s8 =	sadd.s32 $0xFFFFE003, lr  }
0x1b: {  	s9 =	sadd.s32 $0xFFFFFEF7, lr;
	s5 =	simm.s32 $0xFFFFFFFF;
	p2 =	slt.u32 s8, $0xFFFFF086  }
0x1c: {  	p1 =	slt.u32 s9, $0xF7A;
	s5 =	simm.s32 @!p2 $0x0  }
0x1d: {  	s5 =	simm.s32 @p1 $0x1;
	p0 =	seq.s32 s7, s2  }
0x1e: {  	s7 =	smul.u32 @!p0 $0xF7A, s2;
	p2 =	seq.s32 @!p0 s5, $0x0  }
0x1f: {  	s9 =	smul.u32 $0xF7A, s1;
	s8 =	simm.s32 @!p0 $0x1BF5;
	p2 =	por !p2, p0  }
0x20: {  	[sflag:s8] =	ssyncset.s32 @!p0 $0xFFFFF086;
	s6 =	sadd.s32 @!p0 s3, s7;
	s7 =	simm.s32 @!p0 $0x108  }
0x21: {  	s3 =	sadd.s32 s3, s9;
	s6 =	sadd.s32 @!p0 $0x88, s6;
	s7 =	simm.s32 @p2 $0x1082  }
0x22: {  	[simem:s7], [sflag:s8] =	dma.local @!p0 [hbm:s6], $0xF7A  }
0x23: {  	s9 =	sor.u32 $0xD0000000, s2;
	s6 =	simm.s32 $0x108;
	_ =	swait.ge @!p0 [sflag:s8], $0x0  }
0x24: {  	s3 =	sadd.s32 $0x88, s3;
	s6 =	simm.s32 @!p1 $0x1082;
	[sflag:s4] =	ssyncset.s32 $0xFFFFF086  }
0x25: {  	[simem:s6], [sflag:s4] =	dma.local [hbm:s3], $0xF7A  }
0x26: {  	[smem:$0x3F95] =	sst s1;
	(tag) =	ssettag s2;
	_ =	strace s9  }
0x27: {  	s1 =	sld [smem:$0x3FA5]  }
0x28: {  	s2 =	sld [smem:$0x3FA6]  }
0x29: {  	s4 =	sld [smem:$0x3FA8]  }
0x2a: {  	p0 =	seq.s32 s5, $0x0;
	s5 =	sld [smem:$0x3FA9]  }
0x2b: {  	s6 =	sld [smem:$0x3FAA]  }
0x2c: {  	s7 =	sld [smem:$0x3FAB]  }
0x2d: {  	s3 =	simm.s32 $0x108;
	s8 =	sld [smem:$0x3FAC]  }
0x2e: {  	s3 =	simm.s32 @!p0 $0x1082;
	s9 =	sld [smem:$0x3FAD]  }
0x2f: {  	lr =	sadd.s32 s0, s3;
	s0 =	sld [smem:$0x3FA4]  }
0x30: {  	s3 =	sld [smem:$0x3FA7]  }
0x31: {  	[smem:$0x3FB0] =	sst s10  }
0x32: {  	s10 =	sld [smem:$0x3FAE];
	_ =	sdelay $0x3  }
0x33: {  	p0 =	seq.s32 s10, $0x1;
	s10 =	sld [smem:$0x3FB0];
	_ =	sdelay $0x3  }
0x34: {  	[smem:$0x3FB0] =	sst s10  }
0x35: {  	s10 =	sld [smem:$0x3FAF];
	_ =	sdelay $0x3  }
0x36: {  	p1 =	seq.s32 s10, $0x1;
	s10 =	sld [smem:$0x3FB0];
	_ =	sdelay $0x3  }
0x37: {  	[smem:$0x3FB0] =	sst s10  }
0x38: {  	s10 =	sld [smem:$0x3FB1]  }
0x39: {  	_ = 	snop;
	(pc) =	sbr.ind lr, $3  }
0x3a: {  	_ = 	snop  }
0x3b: {  	_ = 	snop  }
0x3c: {  	p2 =	seq.s32 s10, $0x1;
	s10 =	sld [smem:$0x3FB0]  }
0x3d: {  	_ =	shalt  }
0x3e: {  	_ =	shalt  }
0x3f: {  	_ =	shalt  }
0x40: {  	_ =	shalt  }
0x41: {  	_ =	shalt  }
0x42: {  	_ =	shalt  }
0x43: {  	_ =	shalt  }
0x44: {  	_ =	shalt  }
0x45: {  	_ =	shalt  }
0x46: {  	_ =	shalt  }
0x47: {  	_ =	shalt  }
0x48: {  	_ =	shalt  }
0x49: {  	_ =	shalt  }
0x4a: {  	_ =	shalt  }
0x4b: {  	_ =	shalt  }
0x4c: {  	_ =	shalt  }
0x4d: {  	_ =	shalt  }
0x4e: {  	_ =	shalt  }
0x4f: {  	_ =	shalt  }
0x50: {  	_ =	shalt  }
0x51: {  	_ =	shalt  }
0x52: {  	_ =	shalt  }
0x53: {  	_ =	shalt  }
0x54: {  	_ =	shalt  }
0x55: {  	_ =	shalt  }
0x56: {  	_ =	shalt  }
0x57: {  	_ =	shalt  }
0x58: {  	_ =	shalt  }
0x59: {  	_ =	shalt  }
0x5a: {  	_ =	shalt  }
0x5b: {  	_ =	shalt  }
0x5c: {  	_ =	shalt  }
0x5d: {  	_ =	shalt  }
0x5e: {  	_ =	shalt  }
0x5f: {  	_ =	shalt  }
0x60: {  	_ =	shalt  }
0x61: {  	_ =	shalt  }
0x62: {  	_ =	shalt  }
0x63: {  	_ =	shalt  }
0x64: {  	_ =	shalt  }
0x65: {  	_ =	shalt  }
0x66: {  	_ =	shalt  }
0x67: {  	_ =	shalt  }
0x68: {  	_ =	shalt  }
0x69: {  	_ =	shalt  }
0x6a: {  	_ =	shalt  }
0x6b: {  	_ =	shalt  }
0x6c: {  	_ =	shalt  }
0x6d: {  	_ =	shalt  }
0x6e: {  	_ =	shalt  }
0x6f: {  	_ =	shalt  }
0x70: {  	_ =	shalt  }
0x71: {  	_ =	shalt  }
0x72: {  	_ =	shalt  }
0x73: {  	_ =	shalt  }
0x74: {  	_ =	shalt  }
0x75: {  	_ =	shalt  }
0x76: {  	_ =	shalt  }
0x77: {  	_ =	shalt  }
0x78: {  	_ =	shalt  }
0x79: {  	_ =	shalt  }
0x7a: {  	_ =	shalt  }
0x7b: {  	_ =	shalt  }
0x7c: {  	_ =	shalt  }
0x7d: {  	_ =	shalt  }
0x7e: {  	_ =	shalt  }
0x7f: {  	_ =	shalt  }
0x80: {  	_ =	shalt  }
0x81: {  	_ =	shalt  }
0x82: {  	_ =	shalt  }
0x83: {  	_ =	shalt  }
0x84: {  	_ =	shalt  }
0x85: {  	_ =	shalt  }
0x86: {  	_ =	shalt  }
0x87: {  	_ =	shalt  }
.Lfunc_end0:
.L_simem_size_0:
called_computation.1_lowered:
.L_overlay_start_0:
0x88: {  	s2 =	sld [smem:$0x3FD9]  }
0x89: {  	s3 =	sld [smem:$0x3FFE];
	_ =	sdelay $0x1  }
0x8a: {  	s1 =	srdreg.scid  }
0x8b: {  	s0 =	sand.u32 $0x1, s1  }
0x8c: {  	s16 =	sshll.u32 s0, $0xA;
	s2 =	sadd.s32 s3, s2  }
0x8d: {  	s2 =	sadd.s32 s2, s16  }
0x8e: {  	[smem:$0x3FBC] =	sst s2  }
0x8f: {  	_ = 	snop  }
0x90: {  	(tm) =	ssettm $0x1  }
0x91: {  	s17 =	sld [smem:$0x3FFB];
	_ =	sdelay $0x3  }
0x92: {  	_ =	strace s17  }
0x93: {  	s2 =	sld [smem:$0x3FFC];
	_ =	sdelay $0x3  }
0x94: {  	_ =	strace s2  }
0x95: {  	s2 =	sld [smem:$0x3FFD];
	_ =	sdelay $0x3  }
0x96: {  	_ =	strace s2  }
0x97: {  	_ =	strace $0x8FFFFFFF  }
0x98: {  	s18 =	sld [smem:$0x3FDB];
	_ =	sdelay $0x1  }
0x99: {  	s19 =	simm.s32 $_scs_section_size  }
0x9a: {  	s4 =	simm.s32 $_size__tile_overlayer_lowered;
	s5 =	simm.s32 $_tile_overlayer_lowered  }
0x9b: {  	s22 =	simm.s32 $0x1BFF;
	s21 =	sshll.u32 s5, $0x1;
	s2 =	sadd.s32 s19, s18  }
0x9c: {  	s6 =	simm.s32 $0x0;
	s20 =	sshll.u32 s4, $0x1;
	s4 =	sadd.s32 s21, s2  }
0x9d: {  	[timem:s6], [sflag:s22] =	dma.local [hbm:s4], s20  }
0x9e: {  	_ =	swait.ge [sflag:s22], s20  }
0x9f: {  	s3 =	ssub.s32 $0x0, s20;
	[sflag:s22] =	ssyncset.done $0x0  }
0xa0: {  	[sflag:s22] =	ssyncadd.s32 s3;
	_ =	sdelay $0x1  }
0xa1: {  	s23 =	simm.s32 $0x1B8B  }
0xa2: {  	_ =	swait.ge [sflag:s23], $0x1  }
0xa3: {  	[sflag:s23] =	ssyncset.done $0x0  }
0xa4: {  	s25 =	simm.s32 $0x1B8E;
	s24 =	sld [smem:$0x3FFE];
	[sflag:s23] =	ssyncadd.s32 $0xFFFFFFFF  }
0xa5: {  	s26 =	simm.s32 $execute0_lowered;
	[smem:$0x3FD2] =	sst s25  }
0xa6: {  	s4 =	sshll.u32 s26, $0x1;
	_ =	strace $0x80000046;
	[dreg:$0x1] =	wrdreg $0xFFFFFFFF  }
0xa7: {  	s28 =	simm.s32 $_size_execute0_lowered;
	s2 =	sadd.s32 s2, s4;
	[dreg:$0x0] =	wrdreg $0x0  }
0xa8: {  	s4 =	sshll.u32 s28, $0x1;
	[dreg:$0x2] =	wrdreg s2  }
0xa9: {  	[dreg:$0x3] =	wrdreg s4  }
0xaa: {  	[dreg:$0x4] =	wrdreg $0xC0  }
0xab: {  	_ =	task [dreg:s6], $0x5FFFF  }
0xac: {  	[dreg:$0x1] =	wrdreg $0xFFFFFFFF  }
0xad: {  	[dreg:$0x0] =	wrdreg $0x60  }
0xae: {  	[dreg:$0x2] =	wrdreg s24  }
0xaf: {  	[dreg:$0x3] =	wrdreg $0xB  }
0xb0: {  	_ =	task.clear_ibuf [dreg:s6], $0x4FFFF;
	_ =	strace $0x90000046  }
0xb1: {  	s29 =	simm.s32 $0xB;
	_ =	strace $0x80000048  }
0xb2: {  	_ =	swait.ge [sflag:s29], $0x1  }
0xb3: {  	[sflag:s29] =	ssyncadd.s32 $0xFFFFFFFF  }
0xb4: {  	_ =	strace $0x90000048  }
0xb5: {  	_ =	sfence  }
0xb6: {  	s30 =	sld [smem:$0x0];
	_ =	sdelay $0x2  }
0xb7: {  	s31 =	sshll.u32 s1, $0xD;
	s1 =	sshrl.u32 s1, $0x2  }
0xb8: {  	s3 =	sand.u32 $0x4000, s31;
	s1 =	sadd.s32 s1, s30  }
0xb9: {  	s0 =	sor.u32 s3, s0;
	s1 =	sshll.u32 s1, $0x11  }
0xba: {  	s0 =	sor.u32 s1, s0  }
0xbb: {  	s0 =	sadd.s32 $0x8F2B, s0  }
0xbc: {  	[sflag:s0] =	ssyncadd.remote.s32 $0x1  }
0xbd: {  	_ =	sfence.sel $0xFFFF  }
0xbe: {  	[dreg:$0x0] =	wrdreg $0xFFFFFFFF;
	(pc) =	sbr.abs _section_cstart, $3  }
0xbf: {  	[dreg:$0x1] =	wrdreg $0xFFFFFFFF  }
0xc0: {  	_ =	task.clear_ibuf [dreg:s6], $0x2FFFF;
	_ =	strace $0x9FFFFFFF  }
0xc1: {  	(tm) =	ssettm $0x7FFFFFFF  }
tec
execute0_lowered:
.L_overlay_start_1:
0x0: {  	(tag) =	ssettag $0x1  }
0x1: {  	s0 =	srdreg.scid  }
0x2: {  	s1 =	sshll.u32 s0, $0x4  }
0x3: {  	s0 =	stileid.u32;
	s1 =	sand.u32 $0x10, s1  }
0x4: {  	s1 =	sor.u32 s0, s1  }
0x5: {  	s2 =	smin.u32 s1, $0x12  }
0x6: {  	s2 =	sadd.s32 s1, s2  }
0x7: {  	p0 =	slt.u32 s1, $0x12;
	s1 =	simm.s32 $0xA0;
	s2 =	smul.u32 $0x50, s2  }
0x8: {  	s1 =	simm.s32 @!p0 $0x50  }
0x9: {  	s1 =	sadd.s32 s1, s2  }
0xa: {  	s3 =	smin.u32 s1, $0xFA0  }
0xb: {  	s7 =	ssub.s32 s3, s2  }
0xc: {  	p0 =	sgt.s32 s7, $0x0  }
0xd: {  	s7 =	simm.s32 @!p0 $0x0  }
0xe: {  	s31 =	smul.u32 $0xCCCD, s7  }
0xf: {  	s9 =	rddreg [dreg:$0x0];
	s6 =	simm.s32 $0x1;
	s11 =	simm.s32 $0x3  }
0x10: {  	s13 =	simm.s32 $0x0;
	s12 =	simm.s32 $0x0;
	s8 =	sshrl.u32 s31, $0x16  }
0x11: {  	s4 =	sadd.s32 $0x2200, s9;
	s5 =	sadd.s32 $0x2000, s9;
	s10 =	smul.u32 $0x50, s8  }
.Ltmp0:
0x12: {  	s9 =	sadd.s32 $0x11C00, s9;
	s1 =	rddreg [dreg:$0x1];
	(pc) =	sbr.rel .LBB2_1-.Ltmp0, $4  }
0x13: {  	_ =	strace $0x80000047;
	p0 =	sne.s32 s7, s10;
	s10 =	simm.s32 $0x1  }
0x14: {  	[sflag:s6] =	ssyncpa.u1 $0x0;
	s7 =	simm.s32 $0x2;
	s10 =	simm.s32 @!p0 $0x0  }
0x15: {  	[sflag:s7] =	ssyncpa.u1 $0x0;
	p0 =	por $0x0, $0x0;
	s8 =	sadd.s32 s8, s10  }
0x16: {  	vm0 =	vmmov $0xff;
	vm1 =	vcmask $0x3F20;
	[sflag:s11] =	ssyncpa.u1 $0x0;
	s11 =	smov.u32 s2;
	s10 =	sadd.s32 $0x1, s8  }
.LBB2_6:
0x17: {  	[hbm:s17] =	stream.linear.scatter [tilespmem:s14], [sflag:$0x3], $0x400, $0x38;
	[tilespmem:$0x50A0] =	vst v63  }
.LBB2_7:
0x18: {  	s13 =	sadd.s32 $0x50, s11  }
0x19: {  	s15 =	smov.u32 s2;
	p2 =	slt.s32 s13, s3  }
0x1a: {  	s15 =	smov.u32 @p2 s13;
	p2 =	sne.s32 s12, s10  }
.Ltmp1:
0x1b: {  	p1 =	slt.u32 s12, $0x2;
	(pc) =	sbr.rel @!p2 .LBB2_8-.Ltmp1, $4  }
0x1c: {  	s14 =	simm.s32 @!p1 $0x3  }
0x1d: {  	s16 =	sadd.s32 $0x1, s12;
	_ =	swait.ge @!p1 [sflag:s14], $0x2800  }
0x1e: {  	p0 =	por !p0, !p0;
	s13 =	smov.u32 s11;
	[sflag:s14] =	ssyncset.done @!p1 $0x0  }
0x1f: {  	s12 =	smov.u32 s16;
	s11 =	smov.u32 s15;
	[sflag:s14] =	ssyncadd.s32 @!p1 $0xFFFFD800  }
.LBB2_1:
0x20: {  	p1 =	sge.u32 s12, s8  }
0x21: {  	s14 =	sxor.u32 @!p1 $0xFFFFFFFF, s12  }
0x22: {  	s14 =	sand.u32 @!p1 $0x1, s14  }
0x23: {  	s14 =	smul.u32 @!p1 $0x140, s14  }
0x24: {  	s31 =	sadd.s32 $0xFFFFFFFF, s12;
	s15 =	sshrl.u32 @!p1 s11, $0x3  }
0x25: {  	s16 =	sand.u32 @!p1 $0x7, s11;
	s15 =	sadd.s32 @!p1 s5, s15;
	s14 =	sshrl.u32 @!p1 s14, $0x2  }
0x26: {  	[tilespmem:s14], [sflag:$0x2] =	stream.linear.gather @!p1 [hbm4b:s15+s16], $0x50, $0x38;
	[tilespmem:$0x50A0] =	vst v63  }
0x27: {  	p1 =	sge.u32 s31, s8  }
.Ltmp2:
0x28: {  	_ = 	snop;
	(pc) =	sbr.rel @p1 .LBB2_7-.Ltmp2, $1  }
0x29: {  	_ =	sdelay $0x3  }
0x2a: {  	s14 =	simm.s32 $0x1  }
0x2b: {  	s14 =	simm.s32 @!p0 $0x0  }
0x2c: {  	s15 =	smul.u32 $0x140, s14  }
0x2d: {  	_ =	swait.ge [sflag:s7], $0x50  }
0x2e: {  	[sflag:s7] =	ssyncset.done $0x0;
	s16 =	sshrl.u32 s15, $0x2  }
0x2f: {  	[sflag:s7] =	ssyncadd.s32 $0xFFFFFFB0;
	s15 =	sadd.s32 $0x0, s16  }
0x30: {  	v0 =	vld.msk [tilespmem:s15+$0x0 ss:$0x1], $0xffff;
	_ =	sdelay $0x4  }
0x31: {  	vm2 =	vgt.s32 v0, $0x0  }
0x32: {  	v0 =	vnsel vm2, $0x0, v0  }
0x33: {  	v0 =	vmin.u32 v0, $0xF9F  }
0x34: {  	v0 =	vshll.u32 v0, $0x4  }
0x35: {  	s14 =	smul.u32 $0xA000, s14;
	_ =	sdelay $0x1  }
0x36: {  	s14 =	sshrl.u32 s14, $0x2  }
0x37: {  	s14 =	sor.u32 $0xA0, s14  }
0x38: {  	[tilespmem:s14], [sflag:$0x1] =	stream.indirect_vreg.gather [hbm:s4], $0x80, v0, vm0, $0x38;
	[tilespmem:$0x50A0] =	vst v63  }
0x39: {  	s17 =	sadd.s32 $0x10, s16;
	s15 =	sadd.s32 $0x400, s14  }
0x3a: {  	[tilespmem:s15], [sflag:$0x1] =	stream.indirect_vreg.gather [hbm:s4], $0x80, v0, vm1, $0x38;
	[tilespmem:$0x50A0] =	vst v63  }
0x3b: {  	s18 =	simm.s32 $0x80;
	v0 =	vld.msk [tilespmem:s17+$0x0 ss:$0x1], $0xffff;
	s17 =	smov.u32 s14  }
.LBB2_3:
0x3c: {  	p1 =	sne.s32 s18, $0x100;
	_ =	sdelay $0x4  }
0x3d: {  	vm2 =	vgt.s32 v0, $0x0  }
0x3e: {  	v0 =	vnsel vm2, $0x0, v0  }
0x3f: {  	v0 =	vmin.u32 v0, $0xF9F  }
0x40: {  	v0 =	vshll.u32 v0, $0x4;
	_ =	sdelay $0x3  }
.Ltmp3:
0x41: {  	s19 =	sshra.s32 s18, $0x2;
	s17 =	sadd.s32 $0x800, s17;
	(pc) =	sbr.rel @p1 .LBB2_3-.Ltmp3, $4  }
0x42: {  	[tilespmem:s17], [sflag:$0x1] =	stream.indirect_vreg.gather [hbm:s4], $0x80, v0, vm0, $0x38;
	[tilespmem:$0x50A0] =	vst v63  }
0x43: {  	s19 =	sadd.s32 s19, s16;
	s20 =	sadd.s32 $0x400, s17  }
0x44: {  	[tilespmem:s20], [sflag:$0x1] =	stream.indirect_vreg.gather [hbm:s4], $0x80, v0, vm1, $0x38;
	[tilespmem:$0x50A0] =	vst v63  }
0x45: {  	s18 =	sadd.s32 $0x40, s18;
	v0 =	vld.msk [tilespmem:s19+$0x0 ss:$0x1], $0xffff  }
0x46: {  	_ =	sdelay $0x3  }
0x47: {  	vm2 =	vgt.s32 v0, $0x0  }
0x48: {  	v0 =	vnsel vm2, $0x0, v0  }
0x49: {  	v0 =	vmin.u32 v0, $0xF9F  }
0x4a: {  	v0 =	vshll.u32 v0, $0x4;
	_ =	sdelay $0x3  }
0x4b: {  	s16 =	sadd.s32 $0x800, s17  }
0x4c: {  	[tilespmem:s16], [sflag:$0x1] =	stream.indirect_vreg.gather [hbm:s4], $0x80, v0, vm0, $0x38;
	[tilespmem:$0x50A0] =	vst v63  }
0x4d: {  	s16 =	sadd.s32 $0x400, s16  }
0x4e: {  	[tilespmem:s16], [sflag:$0x1] =	stream.indirect_vreg.gather [hbm:s4], $0x80, v0, vm1, $0x38;
	[tilespmem:$0x50A0] =	vst v63  }
0x4f: {  	s13 =	sshll.u32 s13, $0x4;
	_ =	swait.ge [sflag:s6], $0x2800  }
0x50: {  	s13 =	sadd.s32 s13, s9;
	[sflag:s6] =	ssyncset.done $0x0  }
0x51: {  	s17 =	sadd.s32 $0x0, s13;
	s16 =	simm.s32 $0x80;
	[sflag:s6] =	ssyncadd.s32 $0xFFFFD800  }
.LBB2_5:
0x52: {  	[hbm:s17] =	stream.linear.scatter [tilespmem:s14], [sflag:$0x3], $0x400, $0x38;
	[tilespmem:$0x50A0] =	vst v63  }
0x53: {  	s17 =	smov.u32 s16;
	s14 =	smov.u32 s15;
	p1 =	sne.s32 s16, $0x480  }
.Ltmp4:
0x54: {  	s16 =	sadd.s32 $0x80, s16;
	(pc) =	sbr.rel @p1 .LBB2_5-.Ltmp4, $2  }
0x55: {  	_ =	sdelay $0x2  }
0x56: {  	s15 =	sadd.s32 $0x400, s15;
	s17 =	sadd.s32 s17, s13  }
.Ltmp5:
0x57: {  	_ = 	snop;
	(pc) =	sbr.rel .LBB2_6-.Ltmp5, $1  }
0x58: {  	_ =	sdelay $0x3  }
.LBB2_8:
0x59: {  	_ =	sfence.sel $0x180000  }
0x5a: {  	s2 =	simm.s32 $0x2;
	[bflag:$0x0] =	sbarrier.arrive $0xFFFF  }
0x5b: {  	s30 =	simm.s32 $0x3;
	[sflag:s2] =	ssyncpa.u1 $0x1  }
0x5c: {  	s31 =	simm.s32 $0x1;
	[sflag:s30] =	ssyncpa.u1 $0x1  }
0x5d: {  	[sflag:s31] =	ssyncpa.u1 $0x1  }
0x5e: {  	p0 =	sne.s32 s0, $0x0;
	_ =	strace $0x90000047  }
0x5f: {  	s0 =	sadd.s32 @!p0 $0x100000, s1;
	[bflag:$0x2] =	sbarrier.arrive $0xFFFF  }
0x60: {  	[sflag:s0] =	ssyncadd.tile.s32 @!p0 $0x1;
	_ =	shalt  }
.Lfunc_end2:
_tile_overlayer_lowered:
.L_overlay_start_2:
0x61: {  	(tag) =	ssettag $0x2  }
0x62: {  	s0 =	rddreg [dreg:$0x0];
	s2 =	stileid.u32  }
0x63: {  	s1 =	rddreg [dreg:$0x1];
	p0 =	sne.s32 s2, $0x0  }
0x64: {  	s3 =	rddreg [dreg:$0x2];
	[bflag:$0x3] =	sbarrier.arrive $0xFFFF;
	s2 =	simm.s32 @!p0 $0x1C01  }
0x65: {  	[timem:s3], [sflag:s2] =	dma.local @!p0 [hbm:s0], s1  }
0x66: {  	s0 =	simm.s32 @!p0 $0x1  }
0x67: {  	_ =	swait.ge @!p0 [sflag:s0], s1  }
0x68: {  	s1 =	ssub.s32 @!p0 $0x0, s1;
	[sflag:s0] =	ssyncset.done @!p0 $0x0  }
0x69: {  	[sflag:s0] =	ssyncadd.s32 @!p0 s1  }
0x6a: {  	[bflag:$0x3] =	sbarrier.arrive $0xFFFF  }
0x6b: {  	_ =	shalt  }

// kernel: gather_offload_async_start.2
scs
__scs_entry_jumppad:
0x0: {  	(pc) =	sbr.rel $0x88, $3  }
0x1: {  	(tag) =	ssettag $0x0;
	lr =	simm.s32 $0x1  }
0x2: {  	[smem:$0x3F95] =	sst lr;
	_ =	strace $0xD0000000  }
0x3: {  	_ = 	snop  }
0x4: {  	_ = 	snop  }
0x5: {  	_ = 	snop  }
0x6: {  	_ = 	snop  }
0x7: {  	_ = 	snop  }
__scs_overlays_trampoline_lowered:
0x8: {  	[smem:$0x3FA4] =	sst s0  }
0x9: {  	[smem:$0x3FA5] =	sst s1  }
0xa: {  	[smem:$0x3FA6] =	sst s2  }
0xb: {  	[smem:$0x3FA7] =	sst s3  }
0xc: {  	[smem:$0x3FA8] =	sst s4  }
0xd: {  	[smem:$0x3FA9] =	sst s5  }
0xe: {  	[smem:$0x3FAA] =	sst s6  }
0xf: {  	[smem:$0x3FAB] =	sst s7  }
0x10: {  	[smem:$0x3FAC] =	sst s8  }
0x11: {  	[smem:$0x3FAD] =	sst s9;
	s0 =	simm.s32 @!p0 $0x0  }
0x12: {  	s1 =	sld [smem:$0x3F93];
	s0 =	simm.s32 @p0 $0x1  }
0x13: {  	[smem:$0x3FAE] =	sst s0;
	s0 =	simm.s32 @!p1 $0x0  }
0x14: {  	s2 =	sld [smem:$0x3F92];
	s0 =	simm.s32 @p1 $0x1  }
0x15: {  	[smem:$0x3FAF] =	sst s0;
	s0 =	simm.s32 @!p2 $0x0  }
0x16: {  	s3 =	sld [smem:$0x3FDB];
	s0 =	simm.s32 @p2 $0x1  }
0x17: {  	s4 =	simm.s32 $0x1BF5;
	[smem:$0x3FB1] =	sst s0  }
0x18: {  	s0 =	sld [smem:$0x3F94];
	_ =	swait.ge [sflag:s4], $0x0  }
0x19: {  	s7 =	sld [smem:$0x3F95]  }
0x1a: {  	s8 =	sadd.s32 $0xFFFFE003, lr  }
0x1b: {  	s9 =	sadd.s32 $0xFFFFFEF7, lr;
	s5 =	simm.s32 $0xFFFFFFFF;
	p2 =	slt.u32 s8, $0xFFFFF086  }
0x1c: {  	p1 =	slt.u32 s9, $0xF7A;
	s5 =	simm.s32 @!p2 $0x0  }
0x1d: {  	s5 =	simm.s32 @p1 $0x1;
	p0 =	seq.s32 s7, s2  }
0x1e: {  	s7 =	smul.u32 @!p0 $0xF7A, s2;
	p2 =	seq.s32 @!p0 s5, $0x0  }
0x1f: {  	s9 =	smul.u32 $0xF7A, s1;
	s8 =	simm.s32 @!p0 $0x1BF5;
	p2 =	por !p2, p0  }
0x20: {  	[sflag:s8] =	ssyncset.s32 @!p0 $0xFFFFF086;
	s6 =	sadd.s32 @!p0 s3, s7;
	s7 =	simm.s32 @!p0 $0x108  }
0x21: {  	s3 =	sadd.s32 s3, s9;
	s6 =	sadd.s32 @!p0 $0x88, s6;
	s7 =	simm.s32 @p2 $0x1082  }
0x22: {  	[simem:s7], [sflag:s8] =	dma.local @!p0 [hbm:s6], $0xF7A  }
0x23: {  	s9 =	sor.u32 $0xD0000000, s2;
	s6 =	simm.s32 $0x108;
	_ =	swait.ge @!p0 [sflag:s8], $0x0  }
0x24: {  	s3 =	sadd.s32 $0x88, s3;
	s6 =	simm.s32 @!p1 $0x1082;
	[sflag:s4] =	ssyncset.s32 $0xFFFFF086  }
0x25: {  	[simem:s6], [sflag:s4] =	dma.local [hbm:s3], $0xF7A  }
0x26: {  	[smem:$0x3F95] =	sst s1;
	(tag) =	ssettag s2;
	_ =	strace s9  }
0x27: {  	s1 =	sld [smem:$0x3FA5]  }
0x28: {  	s2 =	sld [smem:$0x3FA6]  }
0x29: {  	s4 =	sld [smem:$0x3FA8]  }
0x2a: {  	p0 =	seq.s32 s5, $0x0;
	s5 =	sld [smem:$0x3FA9]  }
0x2b: {  	s6 =	sld [smem:$0x3FAA]  }
0x2c: {  	s7 =	sld [smem:$0x3FAB]  }
0x2d: {  	s3 =	simm.s32 $0x108;
	s8 =	sld [smem:$0x3FAC]  }
0x2e: {  	s3 =	simm.s32 @!p0 $0x1082;
	s9 =	sld [smem:$0x3FAD]  }
0x2f: {  	lr =	sadd.s32 s0, s3;
	s0 =	sld [smem:$0x3FA4]  }
0x30: {  	s3 =	sld [smem:$0x3FA7]  }
0x31: {  	[smem:$0x3FB0] =	sst s10  }
0x32: {  	s10 =	sld [smem:$0x3FAE];
	_ =	sdelay $0x3  }
0x33: {  	p0 =	seq.s32 s10, $0x1;
	s10 =	sld [smem:$0x3FB0];
	_ =	sdelay $0x3  }
0x34: {  	[smem:$0x3FB0] =	sst s10  }
0x35: {  	s10 =	sld [smem:$0x3FAF];
	_ =	sdelay $0x3  }
0x36: {  	p1 =	seq.s32 s10, $0x1;
	s10 =	sld [smem:$0x3FB0];
	_ =	sdelay $0x3  }
0x37: {  	[smem:$0x3FB0] =	sst s10  }
0x38: {  	s10 =	sld [smem:$0x3FB1]  }
0x39: {  	_ = 	snop;
	(pc) =	sbr.ind lr, $3  }
0x3a: {  	_ = 	snop  }
0x3b: {  	_ = 	snop  }
0x3c: {  	p2 =	seq.s32 s10, $0x1;
	s10 =	sld [smem:$0x3FB0]  }
0x3d: {  	_ =	shalt  }
0x3e: {  	_ =	shalt  }
0x3f: {  	_ =	shalt  }
0x40: {  	_ =	shalt  }
0x41: {  	_ =	shalt  }
0x42: {  	_ =	shalt  }
0x43: {  	_ =	shalt  }
0x44: {  	_ =	shalt  }
0x45: {  	_ =	shalt  }
0x46: {  	_ =	shalt  }
0x47: {  	_ =	shalt  }
0x48: {  	_ =	shalt  }
0x49: {  	_ =	shalt  }
0x4a: {  	_ =	shalt  }
0x4b: {  	_ =	shalt  }
0x4c: {  	_ =	shalt  }
0x4d: {  	_ =	shalt  }
0x4e: {  	_ =	shalt  }
0x4f: {  	_ =	shalt  }
0x50: {  	_ =	shalt  }
0x51: {  	_ =	shalt  }
0x52: {  	_ =	shalt  }
0x53: {  	_ =	shalt  }
0x54: {  	_ =	shalt  }
0x55: {  	_ =	shalt  }
0x56: {  	_ =	shalt  }
0x57: {  	_ =	shalt  }
0x58: {  	_ =	shalt  }
0x59: {  	_ =	shalt  }
0x5a: {  	_ =	shalt  }
0x5b: {  	_ =	shalt  }
0x5c: {  	_ =	shalt  }
0x5d: {  	_ =	shalt  }
0x5e: {  	_ =	shalt  }
0x5f: {  	_ =	shalt  }
0x60: {  	_ =	shalt  }
0x61: {  	_ =	shalt  }
0x62: {  	_ =	shalt  }
0x63: {  	_ =	shalt  }
0x64: {  	_ =	shalt  }
0x65: {  	_ =	shalt  }
0x66: {  	_ =	shalt  }
0x67: {  	_ =	shalt  }
0x68: {  	_ =	shalt  }
0x69: {  	_ =	shalt  }
0x6a: {  	_ =	shalt  }
0x6b: {  	_ =	shalt  }
0x6c: {  	_ =	shalt  }
0x6d: {  	_ =	shalt  }
0x6e: {  	_ =	shalt  }
0x6f: {  	_ =	shalt  }
0x70: {  	_ =	shalt  }
0x71: {  	_ =	shalt  }
0x72: {  	_ =	shalt  }
0x73: {  	_ =	shalt  }
0x74: {  	_ =	shalt  }
0x75: {  	_ =	shalt  }
0x76: {  	_ =	shalt  }
0x77: {  	_ =	shalt  }
0x78: {  	_ =	shalt  }
0x79: {  	_ =	shalt  }
0x7a: {  	_ =	shalt  }
0x7b: {  	_ =	shalt  }
0x7c: {  	_ =	shalt  }
0x7d: {  	_ =	shalt  }
0x7e: {  	_ =	shalt  }
0x7f: {  	_ =	shalt  }
0x80: {  	_ =	shalt  }
0x81: {  	_ =	shalt  }
0x82: {  	_ =	shalt  }
0x83: {  	_ =	shalt  }
0x84: {  	_ =	shalt  }
0x85: {  	_ =	shalt  }
0x86: {  	_ =	shalt  }
0x87: {  	_ =	shalt  }
.Lfunc_end0:
.L_simem_size_0:
called_computation.2_lowered:
.L_overlay_start_0:
0x88: {  	s2 =	sld [smem:$0x3FD9]  }
0x89: {  	s3 =	sld [smem:$0x3FFE];
	_ =	sdelay $0x1  }
0x8a: {  	s1 =	srdreg.scid  }
0x8b: {  	s0 =	sand.u32 $0x1, s1  }
0x8c: {  	s17 =	sshll.u32 s0, $0xA;
	s2 =	sadd.s32 s3, s2  }
0x8d: {  	s2 =	sadd.s32 s2, s17  }
0x8e: {  	[smem:$0x3FBC] =	sst s2  }
0x8f: {  	_ = 	snop  }
0x90: {  	(tm) =	ssettm $0x1  }
0x91: {  	s18 =	sld [smem:$0x3FFB];
	_ =	sdelay $0x3  }
0x92: {  	_ =	strace s18  }
0x93: {  	s2 =	sld [smem:$0x3FFC];
	_ =	sdelay $0x3  }
0x94: {  	_ =	strace s2  }
0x95: {  	s2 =	sld [smem:$0x3FFD];
	_ =	sdelay $0x3  }
0x96: {  	_ =	strace s2  }
0x97: {  	_ =	strace $0x8FFFFFFF  }
0x98: {  	s19 =	sld [smem:$0x3FDB];
	_ =	sdelay $0x1  }
0x99: {  	s20 =	simm.s32 $_scs_section_size  }
0x9a: {  	s4 =	simm.s32 $_size__tile_overlayer_lowered;
	s5 =	simm.s32 $_tile_overlayer_lowered  }
0x9b: {  	s6 =	simm.s32 $0x1BFF;
	s21 =	sshll.u32 s5, $0x1;
	s3 =	sadd.s32 s20, s19  }
0x9c: {  	s22 =	simm.s32 $0x0;
	s4 =	sshll.u32 s4, $0x1;
	s5 =	sadd.s32 s21, s3  }
0x9d: {  	[timem:s22], [sflag:s6] =	dma.local [hbm:s5], s4  }
0x9e: {  	_ =	swait.ge [sflag:s6], s4  }
0x9f: {  	s4 =	ssub.s32 $0x0, s4;
	[sflag:s6] =	ssyncset.done $0x0  }
0xa0: {  	[sflag:s6] =	ssyncadd.s32 s4;
	_ =	sdelay $0x1  }
0xa1: {  	s23 =	simm.s32 $0x1B8B  }
0xa2: {  	_ =	swait.ge [sflag:s23], $0x1  }
0xa3: {  	[sflag:s23] =	ssyncset.done $0x0  }
0xa4: {  	[sflag:s23] =	ssyncadd.s32 $0xFFFFFFFF  }
0xa5: {  	s4 =	sld [smem:$0x0]  }
0xa6: {  	s5 =	sand.u32 $0xFFFFFFFE, s1  }
0xa7: {  	p0 =	sne.s32 s1, s5  }
0xa8: {  	s5 =	sshll.u32 @p0 s5, $0xE  }
0xa9: {  	s5 =	sadd.s32 @p0 $0x11B8D, s5;
	s6 =	sshll.u32 @p0 s4, $0x11  }
0xaa: {  	s5 =	sor.u32 @p0 s6, s5  }
0xab: {  	[sflag:s5] =	ssyncadd.remote.s32 @p0 $0x1;
	_ =	sdelay $0x1  }
0xac: {  	s5 =	simm.s32 @p0 $0x1B8D  }
0xad: {  	_ =	swait.eq @p0 [sflag:s5], $0x1  }
0xae: {  	[sflag:s5] =	ssyncadd.s32 @p0 $0xFFFFFFFF  }
0xaf: {  	s6 =	sshll.u32 @!p0 s1, $0xE  }
0xb0: {  	s6 =	sor.u32 @!p0 $0x4000, s6;
	s5 =	simm.s32 @!p0 $0x1B8D  }
0xb1: {  	s4 =	sshll.u32 @!p0 s4, $0x11;
	s6 =	sadd.s32 @!p0 $0x11B8D, s6;
	_ =	swait.eq @!p0 [sflag:s5], $0x1  }
0xb2: {  	s4 =	sor.u32 @!p0 s4, s6;
	[sflag:s5] =	ssyncadd.s32 @!p0 $0xFFFFFFFF  }
0xb3: {  	s25 =	simm.s32 $0x1B8E;
	s24 =	sld [smem:$0x3FFE];
	[sflag:s4] =	ssyncadd.remote.s32 @!p0 $0x1  }
0xb4: {  	s26 =	simm.s32 $execute0_lowered;
	[smem:$0x3FD2] =	sst s25  }
0xb5: {  	s5 =	sshll.u32 s26, $0x1;
	_ =	strace $0x8000004C;
	[dreg:$0x1] =	wrdreg $0xFFFFFFFF  }
0xb6: {  	s28 =	simm.s32 $_size_execute0_lowered;
	s3 =	sadd.s32 s3, s5;
	[dreg:$0x0] =	wrdreg $0x0  }
0xb7: {  	s5 =	sshll.u32 s28, $0x1;
	[dreg:$0x2] =	wrdreg s3  }
0xb8: {  	[dreg:$0x3] =	wrdreg s5  }
0xb9: {  	[dreg:$0x4] =	wrdreg $0xC0  }
0xba: {  	_ =	task [dreg:s22], $0x5FFFF  }
0xbb: {  	[dreg:$0x1] =	wrdreg $0xFFFFFFFF  }
0xbc: {  	[dreg:$0x0] =	wrdreg $0x60  }
0xbd: {  	[dreg:$0x2] =	wrdreg s24  }
0xbe: {  	[dreg:$0x3] =	wrdreg $0xA  }
0xbf: {  	_ =	task.clear_ibuf [dreg:s22], $0x4FFFF;
	_ =	strace $0x9000004C  }
0xc0: {  	s29 =	simm.s32 $0xA;
	_ =	strace $0x8000004E  }
0xc1: {  	_ =	swait.ge [sflag:s29], $0x1  }
0xc2: {  	[sflag:s29] =	ssyncadd.s32 $0xFFFFFFFF  }
0xc3: {  	_ =	strace $0x9000004E  }
0xc4: {  	_ =	sfence  }
0xc5: {  	s30 =	sld [smem:$0x0];
	_ =	sdelay $0x2  }
0xc6: {  	s31 =	sshll.u32 s1, $0xD;
	s1 =	sshrl.u32 s1, $0x2  }
0xc7: {  	s4 =	sand.u32 $0x4000, s31;
	s1 =	sadd.s32 s1, s30  }
0xc8: {  	s0 =	sor.u32 s4, s0;
	s1 =	sshll.u32 s1, $0x11  }
0xc9: {  	s0 =	sor.u32 s1, s0  }
0xca: {  	s0 =	sadd.s32 $0x8F2B, s0  }
0xcb: {  	[sflag:s0] =	ssyncadd.remote.s32 $0x1  }
0xcc: {  	_ =	sfence.sel $0xFFFF  }
0xcd: {  	[dreg:$0x0] =	wrdreg $0xFFFFFFFF;
	(pc) =	sbr.abs _section_cstart, $3  }
0xce: {  	[dreg:$0x1] =	wrdreg $0xFFFFFFFF  }
0xcf: {  	_ =	task.clear_ibuf [dreg:s22], $0x2FFFF;
	_ =	strace $0x9FFFFFFF  }
0xd0: {  	(tm) =	ssettm $0x7FFFFFFF  }
0xd1: {  	_ =	shalt  }
tec
execute0_lowered:
.L_overlay_start_1:
0x0: {  	(tag) =	ssettag $0x1  }
0x1: {  	s0 =	srdreg.scid  }
0x2: {  	s1 =	sshll.u32 s0, $0x4  }
0x3: {  	s0 =	stileid.u32;
	s1 =	sand.u32 $0x10, s1  }
0x4: {  	s1 =	sor.u32 s0, s1  }
0x5: {  	s2 =	smin.u32 s1, $0x12  }
0x6: {  	s2 =	sadd.s32 s1, s2  }
0x7: {  	p0 =	slt.u32 s1, $0x12;
	s1 =	simm.s32 $0xA0;
	s2 =	smul.u32 $0x50, s2  }
0x8: {  	s1 =	simm.s32 @!p0 $0x50  }
0x9: {  	s1 =	sadd.s32 s1, s2  }
0xa: {  	s3 =	smin.u32 s1, $0xFA0  }
0xb: {  	s7 =	ssub.s32 s3, s2  }
0xc: {  	p0 =	sgt.s32 s7, $0x0  }
0xd: {  	s7 =	simm.s32 @!p0 $0x0  }
0xe: {  	s31 =	smul.u32 $0xCCCD, s7  }
0xf: {  	s9 =	rddreg [dreg:$0x0];
	s6 =	simm.s32 $0x1;
	s11 =	simm.s32 $0x3  }
0x10: {  	s13 =	simm.s32 $0x0;
	s12 =	simm.s32 $0x0;
	s8 =	sshrl.u32 s31, $0x16  }
0x11: {  	s4 =	sadd.s32 $0x21800, s9;
	s5 =	sadd.s32 $0x2000, s9;
	s10 =	smul.u32 $0x50, s8  }
.Ltmp0:
0x12: {  	s9 =	sadd.s32 $0x60000, s9;
	s1 =	rddreg [dreg:$0x1];
	(pc) =	sbr.rel .LBB2_1-.Ltmp0, $4  }
0x13: {  	_ =	strace $0x8000004D;
	p0 =	sne.s32 s7, s10;
	s10 =	simm.s32 $0x1  }
0x14: {  	[sflag:s6] =	ssyncpa.u1 $0x0;
	s7 =	simm.s32 $0x2;
	s10 =	simm.s32 @!p0 $0x0  }
0x15: {  	[sflag:s7] =	ssyncpa.u1 $0x0;
	p0 =	por $0x0, $0x0;
	s8 =	sadd.s32 s8, s10  }
0x16: {  	vm0 =	vmmov $0xff;
	vm1 =	vcmask $0x3F20;
	[sflag:s11] =	ssyncpa.u1 $0x0;
	s11 =	smov.u32 s2;
	s10 =	sadd.s32 $0x1, s8  }
.LBB2_9:
0x17: {  	s13 =	sadd.s32 $0x50, s11  }
0x18: {  	s15 =	smov.u32 s2;
	p2 =	slt.s32 s13, s3  }
0x19: {  	s15 =	smov.u32 @p2 s13;
	p2 =	sne.s32 s12, s10  }
.Ltmp1:
0x1a: {  	p1 =	slt.u32 s12, $0x2;
	(pc) =	sbr.rel @!p2 .LBB2_10-.Ltmp1, $4  }
0x1b: {  	s14 =	simm.s32 @!p1 $0x3  }
0x1c: {  	s16 =	sadd.s32 $0x1, s12;
	_ =	swait.ge @!p1 [sflag:s14], $0xA000  }
0x1d: {  	p0 =	por !p0, !p0;
	s13 =	smov.u32 s11;
	[sflag:s14] =	ssyncset.done @!p1 $0x0  }
0x1e: {  	s12 =	smov.u32 s16;
	s11 =	smov.u32 s15;
	[sflag:s14] =	ssyncadd.s32 @!p1 $0xFFFF6000  }
.LBB2_1:
0x1f: {  	p1 =	sge.u32 s12, s8  }
0x20: {  	s14 =	sxor.u32 @!p1 $0xFFFFFFFF, s12  }
0x21: {  	s14 =	sand.u32 @!p1 $0x1, s14  }
0x22: {  	s14 =	smul.u32 @!p1 $0x140, s14  }
0x23: {  	s31 =	sadd.s32 $0xFFFFFFFF, s12;
	s15 =	sshrl.u32 @!p1 s11, $0x3  }
0x24: {  	s16 =	sand.u32 @!p1 $0x7, s11;
	s15 =	sadd.s32 @!p1 s5, s15;
	s14 =	sshrl.u32 @!p1 s14, $0x2  }
0x25: {  	[tilespmem:s14], [sflag:$0x2] =	stream.linear.gather @!p1 [hbm4b:s15+s16], $0x50, $0x38;
	[tilespmem:$0x140A0] =	vst v63  }
0x26: {  	p1 =	sge.u32 s31, s8  }
.Ltmp2:
0x27: {  	_ = 	snop;
	(pc) =	sbr.rel @p1 .LBB2_9-.Ltmp2, $1  }
0x28: {  	_ =	sdelay $0x3  }
0x29: {  	s14 =	simm.s32 $0x1  }
0x2a: {  	s14 =	simm.s32 @!p0 $0x0  }
0x2b: {  	s14 =	smul.u32 $0x28000, s14  }
0x2c: {  	s15 =	sand.u32 $0x1, s12  }
0x2d: {  	_ =	swait.ge [sflag:s7], $0x50;
	s15 =	smul.u32 $0x140, s15;
	s14 =	sshrl.u32 s14, $0x2  }
0x2e: {  	s16 =	simm.s32 $0x0;
	[sflag:s7] =	ssyncset.done $0x0;
	s14 =	sor.u32 $0xA0, s14  }
0x2f: {  	[sflag:s7] =	ssyncadd.s32 $0xFFFFFFB0;
	s15 =	sshrl.u32 s15, $0x2;
	s17 =	smov.u32 s14  }
.LBB2_3:
0x30: {  	s18 =	sshll.u32 s16, $0x4  }
0x31: {  	s18 =	sand.u32 $0x3FFFFFF0, s18  }
0x32: {  	s18 =	sadd.s32 s18, s15  }
0x33: {  	v0 =	vld.msk [tilespmem:s18+$0x0 ss:$0x1], $0xffff;
	_ =	sdelay $0x4  }
0x34: {  	vm2 =	vgt.s32 v0, $0x0  }
0x35: {  	v0 =	vnsel vm2, $0x0, v0  }
0x36: {  	v0 =	vmin.u32 v0, $0xF9F  }
0x37: {  	v1 =	vshll.u32 v0, $0x6;
	v0 =	vshll.u32 v0, $0x4  }
0x38: {  	v1 =	vand.u32 $0x3FE00, v1;
	v0 =	vand.u32 $0x70, v0  }
0x39: {  	v0 =	vor.u32 v0, v1;
	_ =	sdelay $0x3  }
0x3a: {  	s19 =	sadd.s32 $0x0, s17  }
0x3b: {  	[tilespmem:s19], [sflag:$0x1] =	stream.indirect_vreg.gather [hbm:s4], $0x80, v0, vm0, $0x38;
	[tilespmem:$0x140A0] =	vst v63  }
0x3c: {  	s18 =	simm.s32 $0x1000;
	v1 =	vadd.s32 $0x80, v0;
	s19 =	sadd.s32 $0x1000, s19  }
.LBB2_4:
0x3d: {  	[tilespmem:s19], [sflag:$0x1] =	stream.indirect_vreg.gather [hbm:s4], $0x80, v0, vm1, $0x38;
	[tilespmem:$0x140A0] =	vst v63  }
0x3e: {  	v0 =	vmov v1;
	s19 =	smov.u32 s18;
	p1 =	sne.s32 s18, $0x3000  }
.Ltmp3:
0x3f: {  	s18 =	sadd.s32 $0x1000, s18;
	(pc) =	sbr.rel @p1 .LBB2_4-.Ltmp3, $4  }
0x40: {  	s19 =	sshra.s32 s19, $0x2  }
0x41: {  	s19 =	sadd.s32 s19, s17  }
0x42: {  	[tilespmem:s19], [sflag:$0x1] =	stream.indirect_vreg.gather [hbm:s4], $0x80, v1, vm0, $0x38;
	[tilespmem:$0x140A0] =	vst v63  }
0x43: {  	s19 =	sadd.s32 $0x1000, s19;
	v1 =	vadd.s32 $0x80, v1  }
0x44: {  	s16 =	sadd.s32 $0x1, s16  }
0x45: {  	p1 =	sne.s32 s16, $0x5  }
.Ltmp4:
0x46: {  	_ = 	snop;
	(pc) =	sbr.rel @p1 .LBB2_3-.Ltmp4, $3  }
0x47: {  	_ =	sdelay $0x1  }
0x48: {  	[tilespmem:s19], [sflag:$0x1] =	stream.indirect_vreg.gather [hbm:s4], $0x80, v0, vm1, $0x38;
	[tilespmem:$0x140A0] =	vst v63  }
0x49: {  	s17 =	sadd.s32 $0x2000, s17  }
0x4a: {  	s15 =	sshll.u32 s13, $0x6  }
0x4b: {  	s31 =	sshll.u32 s13, $0x4;
	s15 =	sand.u32 $0xFFFFFE00, s15  }
0x4c: {  	_ =	swait.ge [sflag:s6], $0xA000;
	s13 =	sand.u32 $0x70, s31;
	s15 =	sadd.s32 s15, s9  }
0x4d: {  	s16 =	sadd.s32 $0x1000, s14;
	[sflag:s6] =	ssyncset.done $0x0;
	s13 =	sadd.s32 s13, s15  }
0x4e: {  	[sflag:s6] =	ssyncadd.s32 $0xFFFF6000;
	s15 =	simm.s32 $0x200;
	s17 =	sadd.s32 $0x0, s13  }
.LBB2_7:
0x4f: {  	[hbm:s17] =	stream.linear.scatter [tilespmem:s14], [sflag:$0x3], $0x1000, $0x38;
	[tilespmem:$0x140A0] =	vst v63  }
0x50: {  	s17 =	smov.u32 s15;
	s14 =	smov.u32 s16;
	p1 =	sne.s32 s15, $0x1200  }
.Ltmp5:
0x51: {  	s15 =	sadd.s32 $0x200, s15;
	(pc) =	sbr.rel @p1 .LBB2_7-.Ltmp5, $2  }
0x52: {  	_ =	sdelay $0x2  }
0x53: {  	s16 =	sadd.s32 $0x1000, s16;
	s17 =	sadd.s32 s17, s13  }
.Ltmp6:
0x54: {  	(pc) =	sbr.rel .LBB2_9-.Ltmp6, $2  }
0x55: {  	_ =	sdelay $0x2  }
0x56: {  	[hbm:s17] =	stream.linear.scatter [tilespmem:s14], [sflag:$0x3], $0x1000, $0x38;
	[tilespmem:$0x140A0] =	vst v63  }
.LBB2_10:
0x57: {  	_ =	sfence.sel $0x180000  }
0x58: {  	s2 =	simm.s32 $0x2;
	[bflag:$0x0] =	sbarrier.arrive $0xFFFF  }
0x59: {  	s30 =	simm.s32 $0x3;
	[sflag:s2] =	ssyncpa.u1 $0x1  }
0x5a: {  	s31 =	simm.s32 $0x1;
	[sflag:s30] =	ssyncpa.u1 $0x1  }
0x5b: {  	[sflag:s31] =	ssyncpa.u1 $0x1  }
0x5c: {  	p0 =	sne.s32 s0, $0x0;
	_ =	strace $0x9000004D  }
0x5d: {  	s0 =	sadd.s32 @!p0 $0x100000, s1;
	[bflag:$0x2] =	sbarrier.arrive $0xFFFF  }
0x5e: {  	[sflag:s0] =	ssyncadd.tile.s32 @!p0 $0x1;
	_ =	shalt  }
.Lfunc_end2:
_tile_overlayer_lowered:
.L_overlay_start_2:
0x5f: {  	(tag) =	ssettag $0x2  }
0x60: {  	s0 =	rddreg [dreg:$0x0];
	s2 =	stileid.u32  }
0x61: {  	s1 =	rddreg [dreg:$0x1];
	p0 =	sne.s32 s2, $0x0  }
0x62: {  	s3 =	rddreg [dreg:$0x2];
	[bflag:$0x3] =	sbarrier.arrive $0xFFFF;
	s2 =	simm.s32 @!p0 $0x1C01  }
0x63: {  	[timem:s3], [sflag:s2] =	dma.local @!p0 [hbm:s0], s1  }
0x64: {  	s0 =	simm.s32 @!p0 $0x1  }
0x65: {  	_ =	swait.ge @!p0 [sflag:s0], s1  }
0x66: {  	s1 =	ssub.s32 @!p0 $0x0, s1;
	[sflag:s0] =	ssyncset.done @!p0 $0x0  }
0x67: {  	[sflag:s0] =	ssyncadd.s32 @!p0 s1  }
0x68: {  	[bflag:$0x3] =	sbarrier.arrive $0xFFFF  }
0x69: {  	_ =	shalt  }

// kernel: gather_offload_async_start
scs
__scs_entry_jumppad:
0x0: {  	(pc) =	sbr.rel $0x88, $3  }
0x1: {  	(tag) =	ssettag $0x0;
	lr =	simm.s32 $0x1  }
0x2: {  	[smem:$0x3F95] =	sst lr;
	_ =	strace $0xD0000000  }
0x3: {  	_ = 	snop  }
0x4: {  	_ = 	snop  }
0x5: {  	_ = 	snop  }
0x6: {  	_ = 	snop  }
0x7: {  	_ = 	snop  }
__scs_overlays_trampoline_lowered:
0x8: {  	[smem:$0x3FA4] =	sst s0  }
0x9: {  	[smem:$0x3FA5] =	sst s1  }
0xa: {  	[smem:$0x3FA6] =	sst s2  }
0xb: {  	[smem:$0x3FA7] =	sst s3  }
0xc: {  	[smem:$0x3FA8] =	sst s4  }
0xd: {  	[smem:$0x3FA9] =	sst s5  }
0xe: {  	[smem:$0x3FAA] =	sst s6  }
0xf: {  	[smem:$0x3FAB] =	sst s7  }
0x10: {  	[smem:$0x3FAC] =	sst s8  }
0x11: {  	[smem:$0x3FAD] =	sst s9;
	s0 =	simm.s32 @!p0 $0x0  }
0x12: {  	s1 =	sld [smem:$0x3F93];
	s0 =	simm.s32 @p0 $0x1  }
0x13: {  	[smem:$0x3FAE] =	sst s0;
	s0 =	simm.s32 @!p1 $0x0  }
0x14: {  	s2 =	sld [smem:$0x3F92];
	s0 =	simm.s32 @p1 $0x1  }
0x15: {  	[smem:$0x3FAF] =	sst s0;
	s0 =	simm.s32 @!p2 $0x0  }
0x16: {  	s3 =	sld [smem:$0x3FDB];
	s0 =	simm.s32 @p2 $0x1  }
0x17: {  	s4 =	simm.s32 $0x1BF5;
	[smem:$0x3FB1] =	sst s0  }
0x18: {  	s0 =	sld [smem:$0x3F94];
	_ =	swait.ge [sflag:s4], $0x0  }
0x19: {  	s7 =	sld [smem:$0x3F95]  }
0x1a: {  	s8 =	sadd.s32 $0xFFFFE003, lr  }
0x1b: {  	s9 =	sadd.s32 $0xFFFFFEF7, lr;
	s5 =	simm.s32 $0xFFFFFFFF;
	p2 =	slt.u32 s8, $0xFFFFF086  }
0x1c: {  	p1 =	slt.u32 s9, $0xF7A;
	s5 =	simm.s32 @!p2 $0x0  }
0x1d: {  	s5 =	simm.s32 @p1 $0x1;
	p0 =	seq.s32 s7, s2  }
0x1e: {  	s7 =	smul.u32 @!p0 $0xF7A, s2;
	p2 =	seq.s32 @!p0 s5, $0x0  }
0x1f: {  	s9 =	smul.u32 $0xF7A, s1;
	s8 =	simm.s32 @!p0 $0x1BF5;
	p2 =	por !p2, p0  }
0x20: {  	[sflag:s8] =	ssyncset.s32 @!p0 $0xFFFFF086;
	s6 =	sadd.s32 @!p0 s3, s7;
	s7 =	simm.s32 @!p0 $0x108  }
0x21: {  	s3 =	sadd.s32 s3, s9;
	s6 =	sadd.s32 @!p0 $0x88, s6;
	s7 =	simm.s32 @p2 $0x1082  }
0x22: {  	[simem:s7], [sflag:s8] =	dma.local @!p0 [hbm:s6], $0xF7A  }
0x23: {  	s9 =	sor.u32 $0xD0000000, s2;
	s6 =	simm.s32 $0x108;
	_ =	swait.ge @!p0 [sflag:s8], $0x0  }
0x24: {  	s3 =	sadd.s32 $0x88, s3;
	s6 =	simm.s32 @!p1 $0x1082;
	[sflag:s4] =	ssyncset.s32 $0xFFFFF086  }
0x25: {  	[simem:s6], [sflag:s4] =	dma.local [hbm:s3], $0xF7A  }
0x26: {  	[smem:$0x3F95] =	sst s1;
	(tag) =	ssettag s2;
	_ =	strace s9  }
0x27: {  	s1 =	sld [smem:$0x3FA5]  }
0x28: {  	s2 =	sld [smem:$0x3FA6]  }
0x29: {  	s4 =	sld [smem:$0x3FA8]  }
0x2a: {  	p0 =	seq.s32 s5, $0x0;
	s5 =	sld [smem:$0x3FA9]  }
0x2b: {  	s6 =	sld [smem:$0x3FAA]  }
0x2c: {  	s7 =	sld [smem:$0x3FAB]  }
0x2d: {  	s3 =	simm.s32 $0x108;
	s8 =	sld [smem:$0x3FAC]  }
0x2e: {  	s3 =	simm.s32 @!p0 $0x1082;
	s9 =	sld [smem:$0x3FAD]  }
0x2f: {  	lr =	sadd.s32 s0, s3;
	s0 =	sld [smem:$0x3FA4]  }
0x30: {  	s3 =	sld [smem:$0x3FA7]  }
0x31: {  	[smem:$0x3FB0] =	sst s10  }
0x32: {  	s10 =	sld [smem:$0x3FAE];
	_ =	sdelay $0x3  }
0x33: {  	p0 =	seq.s32 s10, $0x1;
	s10 =	sld [smem:$0x3FB0];
	_ =	sdelay $0x3  }
0x34: {  	[smem:$0x3FB0] =	sst s10  }
0x35: {  	s10 =	sld [smem:$0x3FAF];
	_ =	sdelay $0x3  }
0x36: {  	p1 =	seq.s32 s10, $0x1;
	s10 =	sld [smem:$0x3FB0];
	_ =	sdelay $0x3  }
0x37: {  	[smem:$0x3FB0] =	sst s10  }
0x38: {  	s10 =	sld [smem:$0x3FB1]  }
0x39: {  	_ = 	snop;
	(pc) =	sbr.ind lr, $3  }
0x3a: {  	_ = 	snop  }
0x3b: {  	_ = 	snop  }
0x3c: {  	p2 =	seq.s32 s10, $0x1;
	s10 =	sld [smem:$0x3FB0]  }
0x3d: {  	_ =	shalt  }
0x3e: {  	_ =	shalt  }
0x3f: {  	_ =	shalt  }
0x40: {  	_ =	shalt  }
0x41: {  	_ =	shalt  }
0x42: {  	_ =	shalt  }
0x43: {  	_ =	shalt  }
0x44: {  	_ =	shalt  }
0x45: {  	_ =	shalt  }
0x46: {  	_ =	shalt  }
0x47: {  	_ =	shalt  }
0x48: {  	_ =	shalt  }
0x49: {  	_ =	shalt  }
0x4a: {  	_ =	shalt  }
0x4b: {  	_ =	shalt  }
0x4c: {  	_ =	shalt  }
0x4d: {  	_ =	shalt  }
0x4e: {  	_ =	shalt  }
0x4f: {  	_ =	shalt  }
0x50: {  	_ =	shalt  }
0x51: {  	_ =	shalt  }
0x52: {  	_ =	shalt  }
0x53: {  	_ =	shalt  }
0x54: {  	_ =	shalt  }
0x55: {  	_ =	shalt  }
0x56: {  	_ =	shalt  }
0x57: {  	_ =	shalt  }
0x58: {  	_ =	shalt  }
0x59: {  	_ =	shalt  }
0x5a: {  	_ =	shalt  }
0x5b: {  	_ =	shalt  }
0x5c: {  	_ =	shalt  }
0x5d: {  	_ =	shalt  }
0x5e: {  	_ =	shalt  }
0x5f: {  	_ =	shalt  }
0x60: {  	_ =	shalt  }
0x61: {  	_ =	shalt  }
0x62: {  	_ =	shalt  }
0x63: {  	_ =	shalt  }
0x64: {  	_ =	shalt  }
0x65: {  	_ =	shalt  }
0x66: {  	_ =	shalt  }
0x67: {  	_ =	shalt  }
0x68: {  	_ =	shalt  }
0x69: {  	_ =	shalt  }
0x6a: {  	_ =	shalt  }
0x6b: {  	_ =	shalt  }
0x6c: {  	_ =	shalt  }
0x6d: {  	_ =	shalt  }
0x6e: {  	_ =	shalt  }
0x6f: {  	_ =	shalt  }
0x70: {  	_ =	shalt  }
0x71: {  	_ =	shalt  }
0x72: {  	_ =	shalt  }
0x73: {  	_ =	shalt  }
0x74: {  	_ =	shalt  }
0x75: {  	_ =	shalt  }
0x76: {  	_ =	shalt  }
0x77: {  	_ =	shalt  }
0x78: {  	_ =	shalt  }
0x79: {  	_ =	shalt  }
0x7a: {  	_ =	shalt  }
0x7b: {  	_ =	shalt  }
0x7c: {  	_ =	shalt  }
0x7d: {  	_ =	shalt  }
0x7e: {  	_ =	shalt  }
0x7f: {  	_ =	shalt  }
0x80: {  	_ =	shalt  }
0x81: {  	_ =	shalt  }
0x82: {  	_ =	shalt  }
0x83: {  	_ =	shalt  }
0x84: {  	_ =	shalt  }
0x85: {  	_ =	shalt  }
0x86: {  	_ =	shalt  }
0x87: {  	_ =	shalt  }
.Lfunc_end0:
.L_simem_size_0:
called_computation_lowered:
.L_overlay_start_0:
0x88: {  	s2 =	sld [smem:$0x3FD9]  }
0x89: {  	s3 =	sld [smem:$0x3FFE];
	_ =	sdelay $0x1  }
0x8a: {  	s1 =	srdreg.scid  }
0x8b: {  	s0 =	sand.u32 $0x1, s1  }
0x8c: {  	s17 =	sshll.u32 s0, $0xA;
	s2 =	sadd.s32 s3, s2  }
0x8d: {  	s2 =	sadd.s32 s2, s17  }
0x8e: {  	[smem:$0x3FBC] =	sst s2  }
0x8f: {  	_ = 	snop  }
0x90: {  	(tm) =	ssettm $0x1  }
0x91: {  	s18 =	sld [smem:$0x3FFB];
	_ =	sdelay $0x3  }
0x92: {  	_ =	strace s18  }
0x93: {  	s2 =	sld [smem:$0x3FFC];
	_ =	sdelay $0x3  }
0x94: {  	_ =	strace s2  }
0x95: {  	s2 =	sld [smem:$0x3FFD];
	_ =	sdelay $0x3  }
0x96: {  	_ =	strace s2  }
0x97: {  	_ =	strace $0x8FFFFFFF  }
0x98: {  	s19 =	sld [smem:$0x3FDB];
	_ =	sdelay $0x1  }
0x99: {  	s20 =	simm.s32 $_scs_section_size  }
0x9a: {  	s4 =	simm.s32 $_size__tile_overlayer_lowered;
	s5 =	simm.s32 $_tile_overlayer_lowered  }
0x9b: {  	s6 =	simm.s32 $0x1BFF;
	s21 =	sshll.u32 s5, $0x1;
	s3 =	sadd.s32 s20, s19  }
0x9c: {  	s22 =	simm.s32 $0x0;
	s4 =	sshll.u32 s4, $0x1;
	s5 =	sadd.s32 s21, s3  }
0x9d: {  	[timem:s22], [sflag:s6] =	dma.local [hbm:s5], s4  }
0x9e: {  	_ =	swait.ge [sflag:s6], s4  }
0x9f: {  	s4 =	ssub.s32 $0x0, s4;
	[sflag:s6] =	ssyncset.done $0x0  }
0xa0: {  	[sflag:s6] =	ssyncadd.s32 s4;
	_ =	sdelay $0x1  }
0xa1: {  	s23 =	simm.s32 $0x1B8B  }
0xa2: {  	_ =	swait.ge [sflag:s23], $0x1  }
0xa3: {  	[sflag:s23] =	ssyncset.done $0x0  }
0xa4: {  	[sflag:s23] =	ssyncadd.s32 $0xFFFFFFFF  }
0xa5: {  	s4 =	sld [smem:$0x0]  }
0xa6: {  	s5 =	sand.u32 $0xFFFFFFFE, s1  }
0xa7: {  	p0 =	sne.s32 s1, s5  }
0xa8: {  	s5 =	sshll.u32 @p0 s5, $0xE  }
0xa9: {  	s5 =	sadd.s32 @p0 $0x11B8D, s5;
	s6 =	sshll.u32 @p0 s4, $0x11  }
0xaa: {  	s5 =	sor.u32 @p0 s6, s5  }
0xab: {  	[sflag:s5] =	ssyncadd.remote.s32 @p0 $0x1;
	_ =	sdelay $0x1  }
0xac: {  	s5 =	simm.s32 @p0 $0x1B8D  }
0xad: {  	_ =	swait.eq @p0 [sflag:s5], $0x1  }
0xae: {  	[sflag:s5] =	ssyncadd.s32 @p0 $0xFFFFFFFF  }
0xaf: {  	s6 =	sshll.u32 @!p0 s1, $0xE  }
0xb0: {  	s6 =	sor.u32 @!p0 $0x4000, s6;
	s5 =	simm.s32 @!p0 $0x1B8D  }
0xb1: {  	s4 =	sshll.u32 @!p0 s4, $0x11;
	s6 =	sadd.s32 @!p0 $0x11B8D, s6;
	_ =	swait.eq @!p0 [sflag:s5], $0x1  }
0xb2: {  	s4 =	sor.u32 @!p0 s4, s6;
	[sflag:s5] =	ssyncadd.s32 @!p0 $0xFFFFFFFF  }
0xb3: {  	s25 =	simm.s32 $0x1B8E;
	s24 =	sld [smem:$0x3FFE];
	[sflag:s4] =	ssyncadd.remote.s32 @!p0 $0x1  }
0xb4: {  	s26 =	simm.s32 $execute0_lowered;
	[smem:$0x3FD2] =	sst s25  }
0xb5: {  	s5 =	sshll.u32 s26, $0x1;
	_ =	strace $0x80000049;
	[dreg:$0x1] =	wrdreg $0xFFFFFFFF  }
0xb6: {  	s28 =	simm.s32 $_size_execute0_lowered;
	s3 =	sadd.s32 s3, s5;
	[dreg:$0x0] =	wrdreg $0x0  }
0xb7: {  	s5 =	sshll.u32 s28, $0x1;
	[dreg:$0x2] =	wrdreg s3  }
0xb8: {  	[dreg:$0x3] =	wrdreg s5  }
0xb9: {  	[dreg:$0x4] =	wrdreg $0xC0  }
0xba: {  	_ =	task [dreg:s22], $0x5FFFF  }
0xbb: {  	[dreg:$0x1] =	wrdreg $0xFFFFFFFF  }
0xbc: {  	[dreg:$0x0] =	wrdreg $0x60  }
0xbd: {  	[dreg:$0x2] =	wrdreg s24  }
0xbe: {  	[dreg:$0x3] =	wrdreg $0x9  }
0xbf: {  	_ =	task.clear_ibuf [dreg:s22], $0x4FFFF;
	_ =	strace $0x90000049  }
0xc0: {  	s29 =	simm.s32 $0x9;
	_ =	strace $0x8000004B  }
0xc1: {  	_ =	swait.ge [sflag:s29], $0x1  }
0xc2: {  	[sflag:s29] =	ssyncadd.s32 $0xFFFFFFFF  }
0xc3: {  	_ =	strace $0x9000004B  }
0xc4: {  	_ =	sfence  }
0xc5: {  	s30 =	sld [smem:$0x0];
	_ =	sdelay $0x2  }
0xc6: {  	s31 =	sshll.u32 s1, $0xD;
	s1 =	sshrl.u32 s1, $0x2  }
0xc7: {  	s4 =	sand.u32 $0x4000, s31;
	s1 =	sadd.s32 s1, s30  }
0xc8: {  	s0 =	sor.u32 s4, s0;
	s1 =	sshll.u32 s1, $0x11  }
0xc9: {  	s0 =	sor.u32 s1, s0  }
0xca: {  	s0 =	sadd.s32 $0x8F2B, s0  }
0xcb: {  	[sflag:s0] =	ssyncadd.remote.s32 $0x1  }
0xcc: {  	_ =	sfence.sel $0xFFFF  }
0xcd: {  	[dreg:$0x0] =	wrdreg $0xFFFFFFFF;
	(pc) =	sbr.abs _section_cstart, $3  }
0xce: {  	[dreg:$0x1] =	wrdreg $0xFFFFFFFF  }
0xcf: {  	_ =	task.clear_ibuf [dreg:s22], $0x2FFFF;
	_ =	strace $0x9FFFFFFF  }
0xd0: {  	(tm) =	ssettm $0x7FFFFFFF  }
0xd1: {  	_ =	shalt  }
tec
execute0_lowered:
.L_overlay_start_1:
0x0: {  	(tag) =	ssettag $0x1  }
0x1: {  	s8 =	rddreg [dreg:$0x0];
	s1 =	stileid.u32  }
0x2: {  	s2 =	srdreg.scid;
	s0 =	rddreg [dreg:$0x1]  }
0x3: {  	_ =	strace $0x8000004A;
	s5 =	simm.s32 $0x1;
	s9 =	simm.s32 $0x1  }
0x4: {  	s10 =	simm.s32 $0x3;
	s2 =	sand.u32 $0x1, s2;
	s3 =	sshll.u32 s1, $0x1  }
0x5: {  	s13 =	simm.s32 $0x0;
	s12 =	simm.s32 $0x0;
	s6 =	sor.u32 s3, s2  }
0x6: {  	[sflag:s5] =	ssyncpa.u1 $0x0;
	s2 =	sadd.s32 $0x1E00, s8;
	s4 =	smul.u32 $0x50, s6  }
0x7: {  	s3 =	sadd.s32 $0x2000, s8;
	p0 =	slt.u32 s6, $0x13;
	s6 =	simm.s32 $0xA00  }
.Ltmp0:
0x8: {  	s6 =	simm.s32 @!p0 $0x0;
	s7 =	ssub.s32 $0xFA0, s4;
	(pc) =	sbr.rel .LBB2_1-.Ltmp0, $4  }
0x9: {  	s9 =	simm.s32 @!p0 $0x0;
	p0 =	sne.s32 s7, s6;
	s7 =	simm.s32 $0x1  }
0xa: {  	s8 =	sadd.s32 $0x21600, s8;
	s6 =	simm.s32 $0x2;
	s7 =	simm.s32 @!p0 $0x0  }
0xb: {  	s11 =	smov.u32 s4;
	[sflag:s6] =	ssyncpa.u1 $0x0;
	s7 =	sadd.s32 s9, s7  }
0xc: {  	vm0 =	vmmov $0xffff;
	[sflag:s10] =	ssyncpa.u1 $0x0;
	s10 =	simm.s32 $0x0;
	s9 =	sadd.s32 $0x1, s7  }
.LBB2_4:
0xd: {  	v2 =	vnsel vm1, $0x0, v2  }
0xe: {  	vm1 =	vgt.s32 v0, $0x0;
	v2 =	vmin.u32 v2, $0xF9F  }
0xf: {  	v0 =	vnsel vm1, $0x0, v0  }
0x10: {  	v0 =	vmin.u32 v0, $0xF9F  }
0x11: {  	[tilespmem:s18], [sflag:$0x1] =	stream.indirect_vreg.gather [hbm4b:s2+s10], $0x1, v1, vm0, $0x4038;
	[tilespmem:$0x140] =	vst v63  }
0x12: {  	(ifvalue) =	ssetifvalue $0x7FFFFFFF  }
0x13: {  	[tilespmem:s15], [sflag:$0x1] =	stream.indirect_vreg.gather [hbm4b:s2+s10], $0x1, v2, vm0, $0x4038;
	[tilespmem:$0x140] =	vst v63  }
0x14: {  	s29 =	sadd.s32 $0x10, s15;
	(ifvalue) =	ssetifvalue $0x7FFFFFFF  }
0x15: {  	[tilespmem:s29], [sflag:$0x1] =	stream.indirect_vreg.gather [hbm4b:s2+s10], $0x1, v0, vm0, $0x4038;
	[tilespmem:$0x140] =	vst v63  }
0x16: {  	_ =	swait.ge [sflag:s5], $0x50  }
0x17: {  	s30 =	sshrl.u32 s13, $0x3;
	[sflag:s5] =	ssyncset.done $0x0  }
0x18: {  	s31 =	sand.u32 $0x7, s13;
	s15 =	sadd.s32 s8, s30;
	[sflag:s5] =	ssyncadd.s32 $0xFFFFFFB0  }
0x19: {  	[hbm4b:s15+s31] =	stream.linear.scatter [tilespmem:s14], [sflag:$0x3], $0x50, $0x38;
	[tilespmem:$0x140] =	vst v63  }
.LBB2_5:
0x1a: {  	s15 =	sadd.s32 $0xA00, s11  }
0x1b: {  	p1 =	sgt.s32 s15, $0xF9F  }
0x1c: {  	s15 =	smov.u32 @p1 s4;
	p1 =	sne.s32 s12, s9  }
.Ltmp1:
0x1d: {  	p0 =	slt.u32 s12, $0x2;
	(pc) =	sbr.rel @!p1 .LBB2_6-.Ltmp1, $4  }
0x1e: {  	s14 =	simm.s32 @!p0 $0x3  }
0x1f: {  	_ =	swait.ge @!p0 [sflag:s14], $0x50  }
0x20: {  	s16 =	sadd.s32 $0x1, s12;
	s13 =	smov.u32 s11;
	[sflag:s14] =	ssyncset.done @!p0 $0x0  }
0x21: {  	s12 =	smov.u32 s16;
	s11 =	smov.u32 s15;
	[sflag:s14] =	ssyncadd.s32 @!p0 $0xFFFFFFB0  }
.LBB2_1:
0x22: {  	p0 =	sge.u32 s12, s7  }
0x23: {  	s14 =	sxor.u32 @!p0 $0x1, s12  }
0x24: {  	s14 =	smul.u32 @!p0 $0x140, s14  }
0x25: {  	s31 =	sadd.s32 $0xFFFFFFFF, s12;
	s15 =	sshrl.u32 @!p0 s11, $0x3  }
0x26: {  	s16 =	sand.u32 @!p0 $0x7, s11;
	s15 =	sadd.s32 @!p0 s3, s15;
	s14 =	sshra.s32 @!p0 s14, $0x2  }
0x27: {  	[tilespmem:s14], [sflag:$0x2] =	stream.linear.gather @!p0 [hbm4b:s15+s16], $0x50, $0x38;
	[tilespmem:$0x140] =	vst v63  }
0x28: {  	p0 =	sge.u32 s31, s7  }
.Ltmp2:
0x29: {  	_ = 	snop;
	(pc) =	sbr.rel @p0 .LBB2_5-.Ltmp2, $1  }
0x2a: {  	_ =	sdelay $0x3  }
0x2b: {  	s14 =	sand.u32 $0x1, s12  }
0x2c: {  	_ =	swait.ge [sflag:s6], $0x50;
	p0 =	seq.s32 s14, $0x1;
	s14 =	simm.s32 $0x50  }
0x2d: {  	[sflag:s6] =	ssyncset.done $0x0;
	s14 =	simm.s32 @!p0 $0x0  }
0x2e: {  	[sflag:s6] =	ssyncadd.s32 $0xFFFFFFB0;
	(ifvalue) =	ssetifvalue $0x7FFFFFFF;
	v0 =	vld.msk [tilespmem:s14+$0x0 ss:$0x1], $0xffff;
	_ =	sdelay $0x4  }
0x2f: {  	s15 =	sadd.s32 $0x10, s14;
	vm1 =	vgt.s32 v0, $0x0  }
0x30: {  	v2 =	vld.msk [tilespmem:s15+$0x0 ss:$0x1], $0xffff;
	v1 =	vnsel vm1, $0x0, v0  }
0x31: {  	v1 =	vmin.u32 v1, $0xF9F;
	_ =	sdelay $0x2  }
0x32: {  	s17 =	simm.s32 $0x20;
	s14 =	sor.u32 $0xA0, s14;
	s16 =	sadd.s32 $0x10, s15  }
0x33: {  	s15 =	sadd.s32 $0x10, s14;
	s18 =	smov.u32 s14;
	v0 =	vld.msk [tilespmem:s16+$0x0 ss:$0x1], $0xffff;
	vm1 =	vgt.s32 v2, $0x0;
	(ifvalue) =	ssetifvalue $0x7FFFFFFF  }
.LBB2_3:
0x34: {  	[tilespmem:s18], [sflag:$0x1] =	stream.indirect_vreg.gather [hbm4b:s2+s10], $0x1, v1, vm0, $0x4038;
	[tilespmem:$0x140] =	vst v63  }
0x35: {  	s17 =	sadd.s32 $0x10, s17  }
0x36: {  	v2 =	vnsel vm1, $0x0, v2;
	p0 =	slt.u32 s17, $0x40  }
.Ltmp3:
0x37: {  	s18 =	smov.u32 s15;
	v1 =	vmin.u32 v2, $0xF9F;
	(pc) =	sbr.rel @p0 .LBB2_3-.Ltmp3, $3  }
0x38: {  	_ =	sdelay $0x1  }
0x39: {  	s16 =	sadd.s32 $0x10, s16  }
0x3a: {  	vm1 =	vgt.s32 v0, $0x0;
	s15 =	sadd.s32 $0x10, s15;
	v2 =	vmov v0;
	(ifvalue) =	ssetifvalue $0x7FFFFFFF;
	v0 =	vld.msk [tilespmem:s16+$0x0 ss:$0x1], $0xffff  }
.Ltmp4:
0x3b: {  	_ = 	snop;
	(pc) =	sbr.rel .LBB2_4-.Ltmp4, $1  }
0x3c: {  	_ =	sdelay $0x3  }
.LBB2_6:
0x3d: {  	_ =	sfence.sel $0x180000  }
0x3e: {  	s2 =	simm.s32 $0x2;
	[bflag:$0x0] =	sbarrier.arrive $0xFFFF  }
0x3f: {  	s30 =	simm.s32 $0x3;
	[sflag:s2] =	ssyncpa.u1 $0x1  }
0x40: {  	s31 =	simm.s32 $0x1;
	[sflag:s30] =	ssyncpa.u1 $0x1  }
0x41: {  	[sflag:s31] =	ssyncpa.u1 $0x1  }
0x42: {  	p0 =	sne.s32 s1, $0x0;
	_ =	strace $0x9000004A  }
0x43: {  	s0 =	sadd.s32 @!p0 $0x100000, s0;
	[bflag:$0x2] =	sbarrier.arrive $0xFFFF  }
0x44: {  	[sflag:s0] =	ssyncadd.tile.s32 @!p0 $0x1;
	_ =	shalt  }
.Lfunc_end2:
_tile_overlayer_lowered:
.L_overlay_start_2:
0x45: {  	(tag) =	ssettag $0x2  }
0x46: {  	s0 =	rddreg [dreg:$0x0];
	s2 =	stileid.u32  }
0x47: {  	s1 =	rddreg [dreg:$0x1];
	p0 =	sne.s32 s2, $0x0  }
0x48: {  	s3 =	rddreg [dreg:$0x2];
	[bflag:$0x3] =	sbarrier.arrive $0xFFFF;
	s2 =	simm.s32 @!p0 $0x1C01  }
0x49: {  	[timem:s3], [sflag:s2] =	dma.local @!p0 [hbm:s0], s1  }
0x4a: {  	s0 =	simm.s32 @!p0 $0x1  }
0x4b: {  	_ =	swait.ge @!p0 [sflag:s0], s1  }
0x4c: {  	s1 =	ssub.s32 @!p0 $0x0, s1;
	[sflag:s0] =	ssyncset.done @!p0 $0x0  }
0x4d: {  	[sflag:s0] =	ssyncadd.s32 @!p0 s1  }
0x4e: {  	[bflag:$0x3] =	sbarrier.arrive $0xFFFF  }
0x4f: {  	_ =	shalt  }

// kernel: kernel.4.cloned.1.call-start
scs
__scs_entry_jumppad:
0x0: {  	(pc) =	sbr.rel $0x88, $3  }
0x1: {  	(tag) =	ssettag $0x0;
	lr =	simm.s32 $0x1  }
0x2: {  	[smem:$0x3F95] =	sst lr;
	_ =	strace $0xD0000000  }
0x3: {  	_ = 	snop  }
0x4: {  	_ = 	snop  }
0x5: {  	_ = 	snop  }
0x6: {  	_ = 	snop  }
0x7: {  	_ = 	snop  }
__scs_overlays_trampoline_lowered:
0x8: {  	[smem:$0x3FA4] =	sst s0  }
0x9: {  	[smem:$0x3FA5] =	sst s1  }
0xa: {  	[smem:$0x3FA6] =	sst s2  }
0xb: {  	[smem:$0x3FA7] =	sst s3  }
0xc: {  	[smem:$0x3FA8] =	sst s4  }
0xd: {  	[smem:$0x3FA9] =	sst s5  }
0xe: {  	[smem:$0x3FAA] =	sst s6  }
0xf: {  	[smem:$0x3FAB] =	sst s7  }
0x10: {  	[smem:$0x3FAC] =	sst s8  }
0x11: {  	[smem:$0x3FAD] =	sst s9;
	s0 =	simm.s32 @!p0 $0x0  }
0x12: {  	s1 =	sld [smem:$0x3F93];
	s0 =	simm.s32 @p0 $0x1  }
0x13: {  	[smem:$0x3FAE] =	sst s0;
	s0 =	simm.s32 @!p1 $0x0  }
0x14: {  	s2 =	sld [smem:$0x3F92];
	s0 =	simm.s32 @p1 $0x1  }
0x15: {  	[smem:$0x3FAF] =	sst s0;
	s0 =	simm.s32 @!p2 $0x0  }
0x16: {  	s3 =	sld [smem:$0x3FDB];
	s0 =	simm.s32 @p2 $0x1  }
0x17: {  	s4 =	simm.s32 $0x1BF5;
	[smem:$0x3FB1] =	sst s0  }
0x18: {  	s0 =	sld [smem:$0x3F94];
	_ =	swait.ge [sflag:s4], $0x0  }
0x19: {  	s7 =	sld [smem:$0x3F95]  }
0x1a: {  	s8 =	sadd.s32 $0xFFFFE003, lr  }
0x1b: {  	s9 =	sadd.s32 $0xFFFFFEF7, lr;
	s5 =	simm.s32 $0xFFFFFFFF;
	p2 =	slt.u32 s8, $0xFFFFF086  }
0x1c: {  	p1 =	slt.u32 s9, $0xF7A;
	s5 =	simm.s32 @!p2 $0x0  }
0x1d: {  	s5 =	simm.s32 @p1 $0x1;
	p0 =	seq.s32 s7, s2  }
0x1e: {  	s7 =	smul.u32 @!p0 $0xF7A, s2;
	p2 =	seq.s32 @!p0 s5, $0x0  }
0x1f: {  	s9 =	smul.u32 $0xF7A, s1;
	s8 =	simm.s32 @!p0 $0x1BF5;
	p2 =	por !p2, p0  }
0x20: {  	[sflag:s8] =	ssyncset.s32 @!p0 $0xFFFFF086;
	s6 =	sadd.s32 @!p0 s3, s7;
	s7 =	simm.s32 @!p0 $0x108  }
0x21: {  	s3 =	sadd.s32 s3, s9;
	s6 =	sadd.s32 @!p0 $0x88, s6;
	s7 =	simm.s32 @p2 $0x1082  }
0x22: {  	[simem:s7], [sflag:s8] =	dma.local @!p0 [hbm:s6], $0xF7A  }
0x23: {  	s9 =	sor.u32 $0xD0000000, s2;
	s6 =	simm.s32 $0x108;
	_ =	swait.ge @!p0 [sflag:s8], $0x0  }
0x24: {  	s3 =	sadd.s32 $0x88, s3;
	s6 =	simm.s32 @!p1 $0x1082;
	[sflag:s4] =	ssyncset.s32 $0xFFFFF086  }
0x25: {  	[simem:s6], [sflag:s4] =	dma.local [hbm:s3], $0xF7A  }
0x26: {  	[smem:$0x3F95] =	sst s1;
	(tag) =	ssettag s2;
	_ =	strace s9  }
0x27: {  	s1 =	sld [smem:$0x3FA5]  }
0x28: {  	s2 =	sld [smem:$0x3FA6]  }
0x29: {  	s4 =	sld [smem:$0x3FA8]  }
0x2a: {  	p0 =	seq.s32 s5, $0x0;
	s5 =	sld [smem:$0x3FA9]  }
0x2b: {  	s6 =	sld [smem:$0x3FAA]  }
0x2c: {  	s7 =	sld [smem:$0x3FAB]  }
0x2d: {  	s3 =	simm.s32 $0x108;
	s8 =	sld [smem:$0x3FAC]  }
0x2e: {  	s3 =	simm.s32 @!p0 $0x1082;
	s9 =	sld [smem:$0x3FAD]  }
0x2f: {  	lr =	sadd.s32 s0, s3;
	s0 =	sld [smem:$0x3FA4]  }
0x30: {  	s3 =	sld [smem:$0x3FA7]  }
0x31: {  	[smem:$0x3FB0] =	sst s10  }
0x32: {  	s10 =	sld [smem:$0x3FAE];
	_ =	sdelay $0x3  }
0x33: {  	p0 =	seq.s32 s10, $0x1;
	s10 =	sld [smem:$0x3FB0];
	_ =	sdelay $0x3  }
0x34: {  	[smem:$0x3FB0] =	sst s10  }
0x35: {  	s10 =	sld [smem:$0x3FAF];
	_ =	sdelay $0x3  }
0x36: {  	p1 =	seq.s32 s10, $0x1;
	s10 =	sld [smem:$0x3FB0];
	_ =	sdelay $0x3  }
0x37: {  	[smem:$0x3FB0] =	sst s10  }
0x38: {  	s10 =	sld [smem:$0x3FB1]  }
0x39: {  	_ = 	snop;
	(pc) =	sbr.ind lr, $3  }
0x3a: {  	_ = 	snop  }
0x3b: {  	_ = 	snop  }
0x3c: {  	p2 =	seq.s32 s10, $0x1;
	s10 =	sld [smem:$0x3FB0]  }
0x3d: {  	_ =	shalt  }
0x3e: {  	_ =	shalt  }
0x3f: {  	_ =	shalt  }
0x40: {  	_ =	shalt  }
0x41: {  	_ =	shalt  }
0x42: {  	_ =	shalt  }
0x43: {  	_ =	shalt  }
0x44: {  	_ =	shalt  }
0x45: {  	_ =	shalt  }
0x46: {  	_ =	shalt  }
0x47: {  	_ =	shalt  }
0x48: {  	_ =	shalt  }
0x49: {  	_ =	shalt  }
0x4a: {  	_ =	shalt  }
0x4b: {  	_ =	shalt  }
0x4c: {  	_ =	shalt  }
0x4d: {  	_ =	shalt  }
0x4e: {  	_ =	shalt  }
0x4f: {  	_ =	shalt  }
0x50: {  	_ =	shalt  }
0x51: {  	_ =	shalt  }
0x52: {  	_ =	shalt  }
0x53: {  	_ =	shalt  }
0x54: {  	_ =	shalt  }
0x55: {  	_ =	shalt  }
0x56: {  	_ =	shalt  }
0x57: {  	_ =	shalt  }
0x58: {  	_ =	shalt  }
0x59: {  	_ =	shalt  }
0x5a: {  	_ =	shalt  }
0x5b: {  	_ =	shalt  }
0x5c: {  	_ =	shalt  }
0x5d: {  	_ =	shalt  }
0x5e: {  	_ =	shalt  }
0x5f: {  	_ =	shalt  }
0x60: {  	_ =	shalt  }
0x61: {  	_ =	shalt  }
0x62: {  	_ =	shalt  }
0x63: {  	_ =	shalt  }
0x64: {  	_ =	shalt  }
0x65: {  	_ =	shalt  }
0x66: {  	_ =	shalt  }
0x67: {  	_ =	shalt  }
0x68: {  	_ =	shalt  }
0x69: {  	_ =	shalt  }
0x6a: {  	_ =	shalt  }
0x6b: {  	_ =	shalt  }
0x6c: {  	_ =	shalt  }
0x6d: {  	_ =	shalt  }
0x6e: {  	_ =	shalt  }
0x6f: {  	_ =	shalt  }
0x70: {  	_ =	shalt  }
0x71: {  	_ =	shalt  }
0x72: {  	_ =	shalt  }
0x73: {  	_ =	shalt  }
0x74: {  	_ =	shalt  }
0x75: {  	_ =	shalt  }
0x76: {  	_ =	shalt  }
0x77: {  	_ =	shalt  }
0x78: {  	_ =	shalt  }
0x79: {  	_ =	shalt  }
0x7a: {  	_ =	shalt  }
0x7b: {  	_ =	shalt  }
0x7c: {  	_ =	shalt  }
0x7d: {  	_ =	shalt  }
0x7e: {  	_ =	shalt  }
0x7f: {  	_ =	shalt  }
0x80: {  	_ =	shalt  }
0x81: {  	_ =	shalt  }
0x82: {  	_ =	shalt  }
0x83: {  	_ =	shalt  }
0x84: {  	_ =	shalt  }
0x85: {  	_ =	shalt  }
0x86: {  	_ =	shalt  }
0x87: {  	_ =	shalt  }
.Lfunc_end0:
.L_simem_size_0:
called_computation.3_lowered:
.L_overlay_start_0:
0x88: {  	s2 =	sld [smem:$0x3FD9]  }
0x89: {  	s3 =	sld [smem:$0x3FFE];
	_ =	sdelay $0x1  }
0x8a: {  	s1 =	srdreg.scid  }
0x8b: {  	s0 =	sand.u32 $0x1, s1  }
0x8c: {  	s17 =	sshll.u32 s0, $0xA;
	s2 =	sadd.s32 s3, s2  }
0x8d: {  	s2 =	sadd.s32 s2, s17  }
0x8e: {  	[smem:$0x3FBC] =	sst s2  }
0x8f: {  	_ = 	snop  }
0x90: {  	(tm) =	ssettm $0x1  }
0x91: {  	s18 =	sld [smem:$0x3FFB];
	_ =	sdelay $0x3  }
0x92: {  	_ =	strace s18  }
0x93: {  	s2 =	sld [smem:$0x3FFC];
	_ =	sdelay $0x3  }
0x94: {  	_ =	strace s2  }
0x95: {  	s2 =	sld [smem:$0x3FFD];
	_ =	sdelay $0x3  }
0x96: {  	_ =	strace s2  }
0x97: {  	_ =	strace $0x8FFFFFFF  }
0x98: {  	s19 =	sld [smem:$0x3FDB];
	_ =	sdelay $0x1  }
0x99: {  	s20 =	simm.s32 $_scs_section_size  }
0x9a: {  	s4 =	simm.s32 $_size__tile_overlayer_lowered;
	s5 =	simm.s32 $_tile_overlayer_lowered  }
0x9b: {  	s6 =	simm.s32 $0x1BFF;
	s21 =	sshll.u32 s5, $0x1;
	s3 =	sadd.s32 s20, s19  }
0x9c: {  	s22 =	simm.s32 $0x0;
	s4 =	sshll.u32 s4, $0x1;
	s5 =	sadd.s32 s21, s3  }
0x9d: {  	[timem:s22], [sflag:s6] =	dma.local [hbm:s5], s4  }
0x9e: {  	_ =	swait.ge [sflag:s6], s4  }
0x9f: {  	s4 =	ssub.s32 $0x0, s4;
	[sflag:s6] =	ssyncset.done $0x0  }
0xa0: {  	[sflag:s6] =	ssyncadd.s32 s4;
	_ =	sdelay $0x1  }
0xa1: {  	s23 =	simm.s32 $0x1B8B  }
0xa2: {  	_ =	swait.ge [sflag:s23], $0x1  }
0xa3: {  	[sflag:s23] =	ssyncset.done $0x0  }
0xa4: {  	[sflag:s23] =	ssyncadd.s32 $0xFFFFFFFF  }
0xa5: {  	s4 =	sld [smem:$0x0]  }
0xa6: {  	s5 =	sand.u32 $0xFFFFFFFE, s1  }
0xa7: {  	p0 =	sne.s32 s1, s5  }
0xa8: {  	s5 =	sshll.u32 @p0 s5, $0xE  }
0xa9: {  	s5 =	sadd.s32 @p0 $0x11B8D, s5;
	s6 =	sshll.u32 @p0 s4, $0x11  }
0xaa: {  	s5 =	sor.u32 @p0 s6, s5  }
0xab: {  	[sflag:s5] =	ssyncadd.remote.s32 @p0 $0x1;
	_ =	sdelay $0x1  }
0xac: {  	s5 =	simm.s32 @p0 $0x1B8D  }
0xad: {  	_ =	swait.eq @p0 [sflag:s5], $0x1  }
0xae: {  	[sflag:s5] =	ssyncadd.s32 @p0 $0xFFFFFFFF  }
0xaf: {  	s6 =	sshll.u32 @!p0 s1, $0xE  }
0xb0: {  	s6 =	sor.u32 @!p0 $0x4000, s6;
	s5 =	simm.s32 @!p0 $0x1B8D  }
0xb1: {  	s4 =	sshll.u32 @!p0 s4, $0x11;
	s6 =	sadd.s32 @!p0 $0x11B8D, s6;
	_ =	swait.eq @!p0 [sflag:s5], $0x1  }
0xb2: {  	s4 =	sor.u32 @!p0 s4, s6;
	[sflag:s5] =	ssyncadd.s32 @!p0 $0xFFFFFFFF  }
0xb3: {  	s25 =	simm.s32 $0x1B8E;
	s24 =	sld [smem:$0x3FFE];
	[sflag:s4] =	ssyncadd.remote.s32 @!p0 $0x1  }
0xb4: {  	s26 =	simm.s32 $execute0_lowered;
	[smem:$0x3FD2] =	sst s25  }
0xb5: {  	s5 =	sshll.u32 s26, $0x1;
	_ =	strace $0x8000004F;
	[dreg:$0x1] =	wrdreg $0xFFFFFFFF  }
0xb6: {  	s28 =	simm.s32 $_size_execute0_lowered;
	s3 =	sadd.s32 s3, s5;
	[dreg:$0x0] =	wrdreg $0x0  }
0xb7: {  	s5 =	sshll.u32 s28, $0x1;
	[dreg:$0x2] =	wrdreg s3  }
0xb8: {  	[dreg:$0x3] =	wrdreg s5  }
0xb9: {  	[dreg:$0x4] =	wrdreg $0xC0  }
0xba: {  	_ =	task [dreg:s22], $0x5FFFF  }
0xbb: {  	[dreg:$0x1] =	wrdreg $0xFFFFFFFF  }
0xbc: {  	[dreg:$0x0] =	wrdreg $0x60  }
0xbd: {  	[dreg:$0x2] =	wrdreg s24  }
0xbe: {  	[dreg:$0x3] =	wrdreg $0xB  }
0xbf: {  	_ =	task.clear_ibuf [dreg:s22], $0x4FFFF;
	_ =	strace $0x9000004F  }
0xc0: {  	s29 =	simm.s32 $0xB;
	_ =	strace $0x80000051  }
0xc1: {  	_ =	swait.ge [sflag:s29], $0x1  }
0xc2: {  	[sflag:s29] =	ssyncadd.s32 $0xFFFFFFFF  }
0xc3: {  	_ =	strace $0x90000051  }
0xc4: {  	_ =	sfence  }
0xc5: {  	s30 =	sld [smem:$0x0];
	_ =	sdelay $0x2  }
0xc6: {  	s31 =	sshll.u32 s1, $0xD;
	s1 =	sshrl.u32 s1, $0x2  }
0xc7: {  	s4 =	sand.u32 $0x4000, s31;
	s1 =	sadd.s32 s1, s30  }
0xc8: {  	s0 =	sor.u32 s4, s0;
	s1 =	sshll.u32 s1, $0x11  }
0xc9: {  	s0 =	sor.u32 s1, s0  }
0xca: {  	s0 =	sadd.s32 $0x8F2B, s0  }
0xcb: {  	[sflag:s0] =	ssyncadd.remote.s32 $0x1  }
0xcc: {  	_ =	sfence.sel $0xFFFF  }
0xcd: {  	[dreg:$0x0] =	wrdreg $0xFFFFFFFF;
	(pc) =	sbr.abs _section_cstart, $3  }
0xce: {  	[dreg:$0x1] =	wrdreg $0xFFFFFFFF  }
0xcf: {  	_ =	task.clear_ibuf [dreg:s22], $0x2FFFF;
	_ =	strace $0x9FFFFFFF  }
0xd0: {  	(tm) =	ssettm $0x7FFFFFFF  }
0xd1: {  	_ =	shalt  }
tec
execute0_lowered:
.L_overlay_start_1:
0x0: {  	(tag) =	ssettag $0x1  }
0x1: {  	s0 =	srdreg.scid  }
0x2: {  	s3 =	stileid.u32;
	s5 =	rddreg [dreg:$0x0]  }
0x3: {  	s16 =	simm.s32 $0x1200;
	s17 =	simm.s32 $0x1600;
	s18 =	simm.s32 $0x1E00  }
0x4: {  	s19 =	simm.s32 $0x2200;
	s20 =	simm.s32 $0x2A00;
	s21 =	simm.s32 $0x2E00  }
0x5: {  	s22 =	simm.s32 $0x3600;
	s0 =	sand.u32 $0x1, s0;
	s1 =	smul.u32 $0x1400, s3  }
0x6: {  	s23 =	simm.s32 $0x3A00;
	s24 =	simm.s32 $0x4200;
	s2 =	smul.u32 $0xA00, s0  }
0x7: {  	s25 =	simm.s32 $0x4600;
	s7 =	simm.s32 $0x2;
	s26 =	simm.s32 $0x4E00  }
0x8: {  	s8 =	simm.s32 $0xA00;
	s1 =	sadd.s32 s2, s1;
	s2 =	simm.s32 $0x0  }
0x9: {  	s9 =	simm.s32 $0x5200;
	s10 =	simm.s32 $0x5A00;
	[smem:$0x7FF] =	sst s2  }
0xa: {  	s11 =	simm.s32 $0x5E00;
	_ =	strace $0x80000050;
	[dreg:$0x3] =	wrdreg s16  }
0xb: {  	s12 =	simm.s32 $0x6600;
	s13 =	simm.s32 $0x6A00;
	[dreg:$0x4] =	wrdreg s17  }
0xc: {  	s14 =	simm.s32 $0x7200;
	s15 =	simm.s32 $0x7600;
	[dreg:$0x5] =	wrdreg s18  }
0xd: {  	s28 =	simm.s32 $0xBE00;
	s3 =	sshll.u32 s3, $0x1;
	[dreg:$0x6] =	wrdreg s19  }
0xe: {  	s3 =	sor.u32 s0, s3;
	s0 =	ssub.s32 $0x2, s0;
	[dreg:$0x7] =	wrdreg s20  }
0xf: {  	s29 =	simm.s32 $0xC600;
	s6 =	sshrl.u32 s0, $0x1;
	[dreg:$0x8] =	wrdreg s21  }
0x10: {  	s30 =	simm.s32 $0x1;
	s0 =	ssub.s32 s0, s6;
	[dreg:$0x9] =	wrdreg s22  }
0x11: {  	s3 =	smul.u32 $0xA00, s3;
	s0 =	smax.u32 s0, $0x1;
	[dreg:$0xa] =	wrdreg s23  }
0x12: {  	s31 =	simm.s32 $0x0;
	s1 =	sshrl.u32 s1, $0x3;
	[dreg:$0xf] =	wrdreg s0  }
0x13: {  	s3 =	sshrl.u32 s3, $0x3;
	s1 =	smul.u32 $0x180, s1;
	[dreg:$0xb] =	wrdreg s24  }
0x14: {  	s4 =	sadd.s32 s3, s5;
	s3 =	sadd.s32 $0x9E800, s5;
	[dreg:$0xc] =	wrdreg s25  }
0x15: {  	[dreg:$0xd] =	wrdreg s26;
	s16 =	simm.s32 $0x7E00;
	s17 =	simm.s32 $0x8200  }
0x16: {  	s18 =	simm.s32 $0x8A00;
	s19 =	simm.s32 $0x8E00;
	s20 =	simm.s32 $0x9600  }
0x17: {  	s21 =	simm.s32 $0x9A00;
	s22 =	simm.s32 $0xA200;
	s23 =	simm.s32 $0xA600  }
0x18: {  	v2 =	vlaneseq.u32;
	s24 =	simm.s32 $0xAE00;
	s4 =	sadd.s32 $0x2200, s4;
	s1 =	sadd.s32 s1, s5  }
0x19: {  	vm0 =	vmmov $0xffff;
	vm1 =	vmmov $0xff;
	v1 =	vshrl.u32 v2, $0x3;
	s25 =	simm.s32 $0xB200;
	[dreg:$0xe] =	wrdreg s4;
	s1 =	sadd.s32 $0x123400, s1  }
0x1a: {  	v0 =	vand.u32 $0x7, v2;
	v2 =	vor.u32 $0x8, v2;
	v1 =	vmul.u32 $0x8, v1;
	s26 =	simm.s32 $0xBA00;
	s5 =	sadd.s32 $0x9E900, s5;
	[dreg:$0x2] =	wrdreg s1  }
.LBB2_1:
0x1b: {  	s0 =	rddreg [dreg:$0xe]  }
0x1c: {  	[tilespmem:s2], [sflag:$0x2] =	stream.linear.gather [hbm4b:s0+s2], $0xA00, $0x38;
	[tilespmem:$0xCA00] =	vst v63  }
0x1d: {  	_ =	swait.ge [sflag:s7], $0xA00  }
0x1e: {  	[sflag:s7] =	ssyncset.done $0x0  }
0x1f: {  	s1 =	simm.s32 $0x40;
	s0 =	simm.s32 $0x0;
	[sflag:s7] =	ssyncadd.s32 $0xFFFFF600  }
.LBB2_2:
0x20: {  	v3 =	vld [tilespmem:s1+$0xFFFFFFC0];
	_ =	sdelay $0x4  }
0x21: {  	v4 =	vshrl.u32 v3, $0x3  }
0x22: {  	v4 =	vmul.u32 $0x18, v4  }
0x23: {  	v3 =	vand.u32 $0x7, v3  }
0x24: {  	v3 =	vor.u32 v3, v4  }
0x25: {  	v4 =	vperm.xlane v3, v0;
	_ =	sdelay $0x1  }
0x26: {  	v4 =	vadd.s32 v1, v4;
	_ =	sdelay $0x1  }
0x27: {  	v3 =	vperm.xlane v3, v2;
	_ =	sdelay $0x1  }
0x28: {  	v3 =	vadd.s32 v1, v3  }
0x29: {  	[tilespmem:s8], [sflag:$0x1] =	stream.indirect_vreg.gather [hbm4b:s3+s2], $0x80, v4, vm0, $0xb8;
	[tilespmem:$0xCA00] =	vst v63  }
0x2a: {  	s4 =	rddreg [dreg:$0x3]  }
0x2b: {  	[tilespmem:s4], [sflag:$0x1] =	stream.indirect_vreg.gather [hbm4b:s5+s2], $0x80, v4, vm1, $0xb8;
	[tilespmem:$0xCA00] =	vst v63  }
0x2c: {  	s6 =	rddreg [dreg:$0x4]  }
0x2d: {  	[tilespmem:s6], [sflag:$0x1] =	stream.indirect_vreg.gather [hbm4b:s3+s2], $0x80, v3, vm0, $0xb8;
	[tilespmem:$0xCA00] =	vst v63  }
0x2e: {  	s4 =	rddreg [dreg:$0x5]  }
0x2f: {  	[tilespmem:s4], [sflag:$0x1] =	stream.indirect_vreg.gather [hbm4b:s5+s2], $0x80, v3, vm1, $0xb8;
	[tilespmem:$0xCA00] =	vst v63  }
0x30: {  	v3 =	vld [tilespmem:s1+$0xFFFFFFD0];
	_ =	sdelay $0x4  }
0x31: {  	v57 =	vshrl.u32 v3, $0x3  }
0x32: {  	v4 =	vmul.u32 $0x18, v57  }
0x33: {  	v3 =	vand.u32 $0x7, v3  }
0x34: {  	v3 =	vor.u32 v3, v4  }
0x35: {  	v4 =	vperm.xlane v3, v0;
	_ =	sdelay $0x1  }
0x36: {  	v4 =	vadd.s32 v1, v4;
	_ =	sdelay $0x1  }
0x37: {  	v3 =	vperm.xlane v3, v2;
	_ =	sdelay $0x1  }
0x38: {  	s4 =	rddreg [dreg:$0x6];
	v3 =	vadd.s32 v1, v3  }
0x39: {  	[tilespmem:s4], [sflag:$0x1] =	stream.indirect_vreg.gather [hbm4b:s3+s2], $0x80, v4, vm0, $0xb8;
	[tilespmem:$0xCA00] =	vst v63  }
0x3a: {  	s6 =	rddreg [dreg:$0x7]  }
0x3b: {  	[tilespmem:s6], [sflag:$0x1] =	stream.indirect_vreg.gather [hbm4b:s5+s2], $0x80, v4, vm1, $0xb8;
	[tilespmem:$0xCA00] =	vst v63  }
0x3c: {  	s4 =	rddreg [dreg:$0x8]  }
0x3d: {  	[tilespmem:s4], [sflag:$0x1] =	stream.indirect_vreg.gather [hbm4b:s3+s2], $0x80, v3, vm0, $0xb8;
	[tilespmem:$0xCA00] =	vst v63  }
0x3e: {  	s6 =	rddreg [dreg:$0x9]  }
0x3f: {  	[tilespmem:s6], [sflag:$0x1] =	stream.indirect_vreg.gather [hbm4b:s5+s2], $0x80, v3, vm1, $0xb8;
	[tilespmem:$0xCA00] =	vst v63  }
0x40: {  	v3 =	vld [tilespmem:s1+$0xFFFFFFE0];
	_ =	sdelay $0x4  }
0x41: {  	v58 =	vshrl.u32 v3, $0x3  }
0x42: {  	v4 =	vmul.u32 $0x18, v58  }
0x43: {  	v3 =	vand.u32 $0x7, v3  }
0x44: {  	v3 =	vor.u32 v3, v4  }
0x45: {  	v4 =	vperm.xlane v3, v0;
	_ =	sdelay $0x1  }
0x46: {  	v4 =	vadd.s32 v1, v4;
	_ =	sdelay $0x1  }
0x47: {  	v3 =	vperm.xlane v3, v2;
	_ =	sdelay $0x1  }
0x48: {  	s4 =	rddreg [dreg:$0xa];
	v3 =	vadd.s32 v1, v3  }
0x49: {  	[tilespmem:s4], [sflag:$0x1] =	stream.indirect_vreg.gather [hbm4b:s3+s2], $0x80, v4, vm0, $0xb8;
	[tilespmem:$0xCA00] =	vst v63  }
0x4a: {  	s6 =	rddreg [dreg:$0xb]  }
0x4b: {  	[tilespmem:s6], [sflag:$0x1] =	stream.indirect_vreg.gather [hbm4b:s5+s2], $0x80, v4, vm1, $0xb8;
	[tilespmem:$0xCA00] =	vst v63  }
0x4c: {  	s4 =	rddreg [dreg:$0xc]  }
0x4d: {  	[tilespmem:s4], [sflag:$0x1] =	stream.indirect_vreg.gather [hbm4b:s3+s2], $0x80, v3, vm0, $0xb8;
	[tilespmem:$0xCA00] =	vst v63  }
0x4e: {  	s6 =	rddreg [dreg:$0xd]  }
0x4f: {  	[tilespmem:s6], [sflag:$0x1] =	stream.indirect_vreg.gather [hbm4b:s5+s2], $0x80, v3, vm1, $0xb8;
	[tilespmem:$0xCA00] =	vst v63  }
0x50: {  	v3 =	vld [tilespmem:s1+$0xFFFFFFF0];
	_ =	sdelay $0x4  }
0x51: {  	v59 =	vshrl.u32 v3, $0x3  }
0x52: {  	v4 =	vmul.u32 $0x18, v59  }
0x53: {  	v3 =	vand.u32 $0x7, v3  }
0x54: {  	v3 =	vor.u32 v3, v4  }
0x55: {  	v4 =	vperm.xlane v3, v0;
	_ =	sdelay $0x1  }
0x56: {  	v4 =	vadd.s32 v1, v4;
	_ =	sdelay $0x1  }
0x57: {  	v3 =	vperm.xlane v3, v2;
	_ =	sdelay $0x1  }
0x58: {  	v3 =	vadd.s32 v1, v3  }
0x59: {  	[tilespmem:s9], [sflag:$0x1] =	stream.indirect_vreg.gather [hbm4b:s3+s2], $0x80, v4, vm0, $0xb8;
	[tilespmem:$0xCA00] =	vst v63  }
0x5a: {  	_ = 	snop  }
0x5b: {  	[tilespmem:s10], [sflag:$0x1] =	stream.indirect_vreg.gather [hbm4b:s5+s2], $0x80, v4, vm1, $0xb8;
	[tilespmem:$0xCA00] =	vst v63  }
0x5c: {  	_ = 	snop  }
0x5d: {  	[tilespmem:s11], [sflag:$0x1] =	stream.indirect_vreg.gather [hbm4b:s3+s2], $0x80, v3, vm0, $0xb8;
	[tilespmem:$0xCA00] =	vst v63  }
0x5e: {  	_ = 	snop  }
0x5f: {  	[tilespmem:s12], [sflag:$0x1] =	stream.indirect_vreg.gather [hbm4b:s5+s2], $0x80, v3, vm1, $0xb8;
	[tilespmem:$0xCA00] =	vst v63  }
0x60: {  	v3 =	vld [tilespmem:s1+$0x0];
	_ =	sdelay $0x4  }
0x61: {  	v60 =	vshrl.u32 v3, $0x3  }
0x62: {  	v4 =	vmul.u32 $0x18, v60  }
0x63: {  	v3 =	vand.u32 $0x7, v3  }
0x64: {  	v3 =	vor.u32 v3, v4  }
0x65: {  	v4 =	vperm.xlane v3, v0;
	_ =	sdelay $0x1  }
0x66: {  	v4 =	vadd.s32 v1, v4;
	_ =	sdelay $0x1  }
0x67: {  	v3 =	vperm.xlane v3, v2;
	_ =	sdelay $0x1  }
0x68: {  	v3 =	vadd.s32 v1, v3  }
0x69: {  	[tilespmem:s13], [sflag:$0x1] =	stream.indirect_vreg.gather [hbm4b:s3+s2], $0x80, v4, vm0, $0xb8;
	[tilespmem:$0xCA00] =	vst v63  }
0x6a: {  	_ = 	snop  }
0x6b: {  	[tilespmem:s14], [sflag:$0x1] =	stream.indirect_vreg.gather [hbm4b:s5+s2], $0x80, v4, vm1, $0xb8;
	[tilespmem:$0xCA00] =	vst v63  }
0x6c: {  	_ = 	snop  }
0x6d: {  	[tilespmem:s15], [sflag:$0x1] =	stream.indirect_vreg.gather [hbm4b:s3+s2], $0x80, v3, vm0, $0xb8;
	[tilespmem:$0xCA00] =	vst v63  }
0x6e: {  	_ = 	snop  }
0x6f: {  	[tilespmem:s16], [sflag:$0x1] =	stream.indirect_vreg.gather [hbm4b:s5+s2], $0x80, v3, vm1, $0xb8;
	[tilespmem:$0xCA00] =	vst v63  }
0x70: {  	v3 =	vld [tilespmem:s1+$0x10];
	_ =	sdelay $0x4  }
0x71: {  	v61 =	vshrl.u32 v3, $0x3  }
0x72: {  	v4 =	vmul.u32 $0x18, v61  }
0x73: {  	v3 =	vand.u32 $0x7, v3  }
0x74: {  	v3 =	vor.u32 v3, v4  }
0x75: {  	v4 =	vperm.xlane v3, v0;
	_ =	sdelay $0x1  }
0x76: {  	v4 =	vadd.s32 v1, v4;
	_ =	sdelay $0x1  }
0x77: {  	v3 =	vperm.xlane v3, v2;
	_ =	sdelay $0x1  }
0x78: {  	v3 =	vadd.s32 v1, v3  }
0x79: {  	[tilespmem:s17], [sflag:$0x1] =	stream.indirect_vreg.gather [hbm4b:s3+s2], $0x80, v4, vm0, $0xb8;
	[tilespmem:$0xCA00] =	vst v63  }
0x7a: {  	_ = 	snop  }
0x7b: {  	[tilespmem:s18], [sflag:$0x1] =	stream.indirect_vreg.gather [hbm4b:s5+s2], $0x80, v4, vm1, $0xb8;
	[tilespmem:$0xCA00] =	vst v63  }
0x7c: {  	_ = 	snop  }
0x7d: {  	[tilespmem:s19], [sflag:$0x1] =	stream.indirect_vreg.gather [hbm4b:s3+s2], $0x80, v3, vm0, $0xb8;
	[tilespmem:$0xCA00] =	vst v63  }
0x7e: {  	_ = 	snop  }
0x7f: {  	[tilespmem:s20], [sflag:$0x1] =	stream.indirect_vreg.gather [hbm4b:s5+s2], $0x80, v3, vm1, $0xb8;
	[tilespmem:$0xCA00] =	vst v63  }
0x80: {  	v3 =	vld [tilespmem:s1+$0x20];
	_ =	sdelay $0x4  }
0x81: {  	v62 =	vshrl.u32 v3, $0x3  }
0x82: {  	v4 =	vmul.u32 $0x18, v62  }
0x83: {  	v3 =	vand.u32 $0x7, v3  }
0x84: {  	v3 =	vor.u32 v3, v4  }
0x85: {  	v4 =	vperm.xlane v3, v0;
	_ =	sdelay $0x1  }
0x86: {  	v4 =	vadd.s32 v1, v4;
	_ =	sdelay $0x1  }
0x87: {  	v3 =	vperm.xlane v3, v2;
	_ =	sdelay $0x1  }
0x88: {  	v3 =	vadd.s32 v1, v3  }
0x89: {  	[tilespmem:s21], [sflag:$0x1] =	stream.indirect_vreg.gather [hbm4b:s3+s2], $0x80, v4, vm0, $0xb8;
	[tilespmem:$0xCA00] =	vst v63  }
0x8a: {  	_ = 	snop  }
0x8b: {  	[tilespmem:s22], [sflag:$0x1] =	stream.indirect_vreg.gather [hbm4b:s5+s2], $0x80, v4, vm1, $0xb8;
	[tilespmem:$0xCA00] =	vst v63  }
0x8c: {  	_ = 	snop  }
0x8d: {  	[tilespmem:s23], [sflag:$0x1] =	stream.indirect_vreg.gather [hbm4b:s3+s2], $0x80, v3, vm0, $0xb8;
	[tilespmem:$0xCA00] =	vst v63  }
0x8e: {  	_ = 	snop  }
0x8f: {  	[tilespmem:s24], [sflag:$0x1] =	stream.indirect_vreg.gather [hbm4b:s5+s2], $0x80, v3, vm1, $0xb8;
	[tilespmem:$0xCA00] =	vst v63  }
0x90: {  	v3 =	vld [tilespmem:s1+$0x30];
	_ =	sdelay $0x4  }
0x91: {  	v63 =	vshrl.u32 v3, $0x3  }
0x92: {  	v4 =	vmul.u32 $0x18, v63  }
0x93: {  	v3 =	vand.u32 $0x7, v3  }
0x94: {  	v3 =	vor.u32 v3, v4  }
0x95: {  	v4 =	vperm.xlane v3, v0;
	_ =	sdelay $0x1  }
0x96: {  	v4 =	vadd.s32 v1, v4;
	_ =	sdelay $0x1  }
0x97: {  	v3 =	vperm.xlane v3, v2;
	_ =	sdelay $0x1  }
0x98: {  	v3 =	vadd.s32 v1, v3  }
0x99: {  	[tilespmem:s25], [sflag:$0x1] =	stream.indirect_vreg.gather [hbm4b:s3+s2], $0x80, v4, vm0, $0xb8;
	[tilespmem:$0xCA00] =	vst v63  }
0x9a: {  	_ = 	snop  }
0x9b: {  	[tilespmem:s26], [sflag:$0x1] =	stream.indirect_vreg.gather [hbm4b:s5+s2], $0x80, v4, vm1, $0xb8;
	[tilespmem:$0xCA00] =	vst v63  }
0x9c: {  	_ = 	snop  }
0x9d: {  	[tilespmem:s28], [sflag:$0x1] =	stream.indirect_vreg.gather [hbm4b:s3+s2], $0x80, v3, vm0, $0xb8;
	[tilespmem:$0xCA00] =	vst v63  }
0x9e: {  	_ = 	snop  }
0x9f: {  	[tilespmem:s29], [sflag:$0x1] =	stream.indirect_vreg.gather [hbm4b:s5+s2], $0x80, v3, vm1, $0xb8;
	[tilespmem:$0xCA00] =	vst v63  }
0xa0: {  	_ =	swait.ge [sflag:s30], $0xC000  }
0xa1: {  	p0 =	sne.s32 s0, $0x1C800;
	s6 =	rddreg [dreg:$0x2];
	[sflag:s30] =	ssyncset.done $0x0  }
.Ltmp0:
0xa2: {  	[sflag:s30] =	ssyncadd.s32 $0xFFFF4000;
	s4 =	sadd.s32 s0, s6;
	(pc) =	sbr.rel @p0 .LBB2_2-.Ltmp0, $4  }
0xa3: {  	[hbm4b:s4+s2] =	stream.linear.scatter [tilespmem:s8], [sflag:$0x2], $0xC000, $0x38;
	[tilespmem:$0xCA00] =	vst v63  }
0xa4: {  	_ =	swait.ge [sflag:s7], $0xC000  }
0xa5: {  	[sflag:s7] =	ssyncset.done $0x0  }
0xa6: {  	s1 =	sadd.s32 $0x80, s1;
	s0 =	sadd.s32 $0x1800, s0;
	[sflag:s7] =	ssyncadd.s32 $0xFFFF4000  }
0xa7: {  	s31 =	sadd.s32 $0x1, s31;
	s0 =	rddreg [dreg:$0xf]  }
0xa8: {  	p0 =	sne.s32 s31, s0  }
.Ltmp1:
0xa9: {  	_ = 	snop;
	(pc) =	sbr.rel @p0 .LBB2_1-.Ltmp1, $1  }
0xaa: {  	_ =	sdelay $0x3  }
0xab: {  	_ =	sfence.sel $0x180000  }
0xac: {  	[bflag:$0x0] =	sbarrier.arrive $0xFFFF  }
0xad: {  	_ =	strace $0x90000050  }
0xae: {  	s0 =	stileid.u32;
	[bflag:$0x2] =	sbarrier.arrive $0xFFFF  }
0xaf: {  	p0 =	sne.s32 s0, $0x0;
	s0 =	rddreg [dreg:$0x1]  }
0xb0: {  	s0 =	sadd.s32 @!p0 $0x100000, s0  }
0xb1: {  	[sflag:s0] =	ssyncadd.tile.s32 @!p0 $0x1;
	_ =	shalt  }
.Lfunc_end2:
_tile_overlayer_lowered:
.L_overlay_start_2:
0xb2: {  	(tag) =	ssettag $0x2  }
0xb3: {  	s0 =	rddreg [dreg:$0x0];
	s2 =	stileid.u32  }
0xb4: {  	s1 =	rddreg [dreg:$0x1];
	p0 =	sne.s32 s2, $0x0  }
0xb5: {  	s3 =	rddreg [dreg:$0x2];
	[bflag:$0x3] =	sbarrier.arrive $0xFFFF;
	s2 =	simm.s32 @!p0 $0x1C02  }
0xb6: {  	[timem:s3], [sflag:s2] =	dma.local @!p0 [hbm:s0], s1  }
0xb7: {  	s0 =	simm.s32 @!p0 $0x2  }
0xb8: {  	_ =	swait.ge @!p0 [sflag:s0], s1  }
0xb9: {  	s1 =	ssub.s32 @!p0 $0x0, s1;
	[sflag:s0] =	ssyncset.done @!p0 $0x0  }
0xba: {  	[sflag:s0] =	ssyncadd.s32 @!p0 s1  }
0xbb: {  	[bflag:$0x3] =	sbarrier.arrive $0xFFFF  }
0xbc: {  	_ =	shalt  }

</sc_bundles>
